<compile_context>
chip_gen: v7x
topology: tpu7x:2x2x1
jax: 0.10.2.dev20260603
libtpu: 0.0.44.dev20260713+nightly
codegen_flags: <defaults>
</compile_context>

<pallas_src>
import functools

import jax
import jax.numpy as jnp
from jax import lax
from jax.experimental import pallas as pl
from jax.experimental.pallas import tpu as pltpu
from jax.experimental.pallas import tpu_sc as plsc

N = 10000
D = 128
C = 128
E = 320000

NC = 2
NS = 16
NW = NC * NS

CH = 128
J = -(-E // (NW * CH))
E_PAD = NW * J * CH
R = 640
N_PAD = NS * R

B = 1000


def _sc_aggregate(x, src_slab, dst_slab, zrow, onesrow):
    mesh = plsc.VectorSubcoreMesh(core_axis_name="c", subcore_axis_name="s")

    @functools.partial(
        pl.kernel,
        out_type=(
            jax.ShapeDtypeStruct((NC, N_PAD, D), jnp.float32),
            jax.ShapeDtypeStruct((NC * N_PAD,), jnp.float32),
        ),
        mesh=mesh,
        scratch_types=[
            pltpu.VMEM((J, 1, CH), jnp.int32),
            pltpu.VMEM((J, 1, CH), jnp.int32),
            pltpu.VMEM((CH, D), jnp.float32),
            pltpu.VMEM((CH,), jnp.float32),
            pltpu.VMEM((R,), jnp.float32),
            pltpu.VMEM_SHARED((N_PAD, D), jnp.float32),
            pltpu.VMEM_SHARED((N_PAD,), jnp.float32),
            pltpu.SemaphoreType.DMA,
        ],
    )
    def k(x_hbm, src_hbm, dst_hbm, zrow_hbm, ones_hbm, agg_out, deg_out,
          src_v, dst_v, rows_v, ones_v, deg_tile, agg_s, deg_s, sem):
        c = lax.axis_index("c")
        s = lax.axis_index("s")
        wid = s * NC + c
        pltpu.sync_copy(src_hbm.at[pl.ds(wid * J, J)], src_v)
        pltpu.sync_copy(dst_hbm.at[pl.ds(wid * J, J)], dst_v)

        pltpu.sync_copy(zrow_hbm, rows_v)
        for k_ in range(R // CH):
            pltpu.sync_copy(rows_v, agg_s.at[pl.ds(s * R + k_ * CH, CH)])
        for k_ in range(R // 128):
            pltpu.sync_copy(rows_v.at[0],
                            deg_s.at[pl.ds(s * R + k_ * 128, 128)])
        pltpu.sync_copy(ones_hbm, ones_v)
        plsc.subcore_barrier()

        def chunk(j, carry):
            pltpu.async_copy(x_hbm.at[src_v.at[j, 0]], rows_v, sem).wait()
            pltpu.sync_copy(rows_v, agg_s.at[dst_v.at[j, 0]], add=True)
            pltpu.sync_copy(ones_v, deg_s.at[dst_v.at[j, 0]], add=True)
            return carry

        lax.fori_loop(0, J, chunk, 0)
        plsc.subcore_barrier()
        pltpu.sync_copy(agg_s.at[pl.ds(s * R, R)], agg_out.at[c, pl.ds(s * R, R)])
        pltpu.sync_copy(deg_s.at[pl.ds(s * R, R)], deg_tile)
        pltpu.sync_copy(deg_tile, deg_out.at[pl.ds(c * N_PAD + s * R, R)])

    return k(x, src_slab, dst_slab, zrow, onesrow)


def _tc_body(nd_ref, x_ref, agg_ref, deg_ref, wsT_ref, b_ref, wnT_ref, out_ref):
    i = pl.program_id(0)
    rows = i * B + lax.broadcasted_iota(jnp.int32, (B, 1), 0)
    mask = rows < nd_ref[0]
    x_blk = jnp.where(mask, x_ref[...], 0.0)
    agg = agg_ref[0] + agg_ref[1]
    deg = deg_ref[0] + deg_ref[1]
    h_neigh = jnp.where(mask, agg / jnp.maximum(deg, 1.0), 0.0)
    acc = jnp.dot(x_blk, wsT_ref[...], preferred_element_type=jnp.float32)
    acc = acc + jnp.dot(h_neigh, wnT_ref[...], preferred_element_type=jnp.float32)
    out_ref[...] = jnp.maximum(acc + b_ref[...], 0.0)


def _tc_matmul(nd, x, agg2, deg3, W_self, b_self, W_neigh):
    return pl.pallas_call(
        _tc_body,
        grid=(N // B,),
        in_specs=[
            pl.BlockSpec(memory_space=pltpu.SMEM),
            pl.BlockSpec((B, D), lambda i: (i, 0)),
            pl.BlockSpec((NC, B, D), lambda i: (0, i, 0)),
            pl.BlockSpec((NC, B, 1), lambda i: (0, i, 0)),
            pl.BlockSpec((D, C), lambda i: (0, 0)),
            pl.BlockSpec((1, C), lambda i: (0, 0)),
            pl.BlockSpec((D, C), lambda i: (0, 0)),
        ],
        out_specs=pl.BlockSpec((B, C), lambda i: (i, 0)),
        out_shape=jax.ShapeDtypeStruct((N, C), jnp.float32),
    )(nd, x, agg2, deg3, W_self.T, b_self.reshape(1, C), W_neigh.T)


def kernel(x, edge_index, num_dst, W_self, b_self, W_neigh):
    src = edge_index[0]
    dst = edge_index[1]
    pad = E_PAD - E
    src_slab = jnp.concatenate(
        [src, jnp.zeros((pad,), jnp.int32)]).reshape(NW * J, 1, CH)
    trash = N + jnp.arange(pad, dtype=jnp.int32) % (N_PAD - N)
    dst_slab = jnp.concatenate([dst, trash]).reshape(NW * J, 1, CH)
    zrow = jnp.zeros((CH, D), jnp.float32)
    onesrow = jnp.ones((CH,), jnp.float32)
    agg2, deg2 = _sc_aggregate(x, src_slab, dst_slab, zrow, onesrow)
    deg3 = deg2.reshape(NC, N_PAD, 1)
    nd = jnp.asarray(num_dst, jnp.int32).reshape(1)
    return _tc_matmul(nd, x, agg2, deg3, W_self, b_self, W_neigh)

# --- scband reference (transcript-rebuilt; emitter-appended) ---
"""Pipeline reference for scband-sage-23235773072076 (READ-ONLY COPY).

The authoritative reference and input builder live on the scoring server;
editing this copy changes nothing except your own understanding.
"""

import jax, jax.numpy as jnp
import numpy as np

N = 10000   # nodes
E = 320000  # edges
D = 128     # in_feats
C = 128     # n_classes (out feats)


def setup_inputs(seed: int = 0) -> dict:
    key = jax.random.key(seed)
    k1, k2, k3, k4 = jax.random.split(key, 4)
    x = jax.random.normal(k1, (N, D), dtype=jnp.float32)
    # int32 used so the module runs without jax x64 mode; values in [0, N)
    edge_index = jax.random.randint(k2, (2, E), 0, N, dtype=jnp.int32)
    # DGL SAGEConv('mean') params: fc_self (with bias) and fc_neigh (no bias)
    W_self = jax.random.normal(k3, (C, D), dtype=jnp.float32) * 0.05
    b_self = jnp.zeros((C,), dtype=jnp.float32)
    W_neigh = jax.random.normal(k4, (C, D), dtype=jnp.float32) * 0.05
    return {
        "x": x,
        "edge_index": edge_index,
        "num_dst": N,
        "W_self": W_self,
        "b_self": b_self,
        "W_neigh": W_neigh,
    }


def reference(x, edge_index, num_dst, W_self, b_self, W_neigh):
    # Single-block SAGE layer with 'mean' aggregation + activation.
    src = edge_index[0]
    dst = edge_index[1]
    # h_dst = h[:block.num_dst_nodes()]
    nd = x.shape[0]
    dst_mask = jnp.arange(nd) < num_dst
    h_dst = jnp.where(dst_mask[:, None], x, jnp.zeros((), dtype=x.dtype))
    # message: gather src features along edges
    msg = jnp.take(x, src, axis=0)                       # [E, D]
    # mean aggregation over incoming edges per dst node
    agg = jax.ops.segment_sum(msg, dst, num_segments=nd)   # [num_dst, D]
    deg = jax.ops.segment_sum(jnp.ones((E,), dtype=x.dtype), dst, num_segments=nd)
    h_neigh = agg / jnp.clip(deg, 1.0)[:, None]
    h_neigh = jnp.where(dst_mask[:, None], h_neigh, jnp.zeros((), dtype=x.dtype))
    # rst = fc_self(h_dst) + fc_neigh(h_neigh)
    out = h_dst @ W_self.T + b_self + h_neigh @ W_neigh.T
    # activation
    out = jax.nn.relu(out)
    return out

if __name__ == "__main__":
    import jax
    _d = setup_inputs()
    print(jax.jit(kernel)(*tuple(_d.values())))

</pallas_src>

<mosaic_0001>
#map = affine_map<(d0, d1) -> (0, 0)>
#map1 = affine_map<(d0, d1) -> (0, 0, 0)>
#map2 = affine_map<(d0, d1) -> (0)>
module attributes {stable_mosaic.version = 14 : i64} {
  func.func @k(%arg0: i32, %arg1: i32, %arg2: memref<10000x128xf32, #tpu.memory_space<hbm>>, %arg3: memref<2528x1x128xi32, #tpu.memory_space<hbm>>, %arg4: memref<2528x1x128xi32, #tpu.memory_space<hbm>>, %arg5: memref<128x128xf32, #tpu.memory_space<hbm>>, %arg6: memref<128xf32, #tpu.memory_space<hbm>>, %arg7: memref<2x10240x128xf32, #tpu.memory_space<hbm>>, %arg8: memref<20480xf32, #tpu.memory_space<hbm>>, %arg9: memref<79x1x128xi32, #tpu.memory_space<vmem>>, %arg10: memref<79x1x128xi32, #tpu.memory_space<vmem>>, %arg11: memref<128x128xf32, #tpu.memory_space<vmem>>, %arg12: memref<128xf32, #tpu.memory_space<vmem>>, %arg13: memref<640xf32, #tpu.memory_space<vmem>>, %arg14: memref<10240x128xf32, #tpu.memory_space<vmem_shared>>, %arg15: memref<10240xf32, #tpu.memory_space<vmem_shared>>, %arg16: memref<!tpu.dma_semaphore, #tpu.memory_space<semaphore_mem>>) attributes {dimension_semantics = [#tpu.dimension_semantics<core_parallel>, #tpu.dimension_semantics<subcore_parallel>], iteration_bounds = array<i64: 2, 16>, scalar_prefetch = 0 : i64, scratch_operands = 8 : i64, tpu.core_type = #tpu.core_type<sc_vector_subcore>, window_params = [{transform_indices = #map}, {transform_indices = #map1}, {transform_indices = #map1}, {transform_indices = #map}, {transform_indices = #map2}, {transform_indices = #map1}, {transform_indices = #map2}]} {
    %mul3A = arith.constant 2 : i32
    %mul3A_0 = arith.muli %arg1, %mul3A : i32
    %add3A = arith.addi %mul3A_0, %arg0 : i32
    %mul3A_1 = arith.constant 79 : i32
    %mul3A_2 = arith.muli %add3A, %mul3A_1 : i32
    "tpu.region"() ({
      %run_scoped3A_66 = tpu.sem_alloc : memref<!tpu.dma_semaphore, #tpu.memory_space<semaphore_mem>>
      %dma_start3A = arith.constant 0 : i32
      %dma_start3A_67 = arith.constant 0 : i32
      %dma_start3A_68 = tpu.memref_slice %arg3[%mul3A_2, %dma_start3A, %dma_start3A_67] : memref<2528x1x128xi32, #tpu.memory_space<hbm>> -> memref<79x1x128xi32, #tpu.memory_space<hbm>>
      %dma_start3A_69 = arith.constant 0 : i32
      %dma_start3A_70 = arith.constant 0 : i32
      %dma_start3A_71 = tpu.memref_slice %arg3[%mul3A_2, %dma_start3A_69, %dma_start3A_70] : memref<2528x1x128xi32, #tpu.memory_space<hbm>> -> memref<79x1x128xi32, #tpu.memory_space<hbm>>
      tpu.enqueue_dma source(%dma_start3A_71 : memref<79x1x128xi32, #tpu.memory_space<hbm>>) target(%arg9 : memref<79x1x128xi32, #tpu.memory_space<vmem>>) target_semaphore(%run_scoped3A_66 : memref<!tpu.dma_semaphore, #tpu.memory_space<semaphore_mem>>)
      %dma_wait3A = arith.constant 0 : i32
      %dma_wait3A_72 = arith.constant 0 : i32
      %dma_wait3A_73 = tpu.memref_slice %arg3[%mul3A_2, %dma_wait3A, %dma_wait3A_72] : memref<2528x1x128xi32, #tpu.memory_space<hbm>> -> memref<79x1x128xi32, #tpu.memory_space<hbm>>
      %dma_wait3A_74 = arith.constant 0 : i32
      %dma_wait3A_75 = arith.constant 0 : i32
      %dma_wait3A_76 = tpu.memref_slice %arg3[%mul3A_2, %dma_wait3A_74, %dma_wait3A_75] : memref<2528x1x128xi32, #tpu.memory_space<hbm>> -> memref<79x1x128xi32, #tpu.memory_space<hbm>>
      tpu.wait_dma2 semaphore(%run_scoped3A_66 : memref<!tpu.dma_semaphore, #tpu.memory_space<semaphore_mem>>) src(%dma_wait3A_76 : memref<79x1x128xi32, #tpu.memory_space<hbm>>) dst(%arg9 : memref<79x1x128xi32, #tpu.memory_space<vmem>>)
      tpu.yield
    }) : () -> ()
    %mul3A_3 = arith.constant 79 : i32
    %mul3A_4 = arith.muli %add3A, %mul3A_3 : i32
    "tpu.region"() ({
      %run_scoped3A_66 = tpu.sem_alloc : memref<!tpu.dma_semaphore, #tpu.memory_space<semaphore_mem>>
      %dma_start3A = arith.constant 0 : i32
      %dma_start3A_67 = arith.constant 0 : i32
      %dma_start3A_68 = tpu.memref_slice %arg4[%mul3A_4, %dma_start3A, %dma_start3A_67] : memref<2528x1x128xi32, #tpu.memory_space<hbm>> -> memref<79x1x128xi32, #tpu.memory_space<hbm>>
      %dma_start3A_69 = arith.constant 0 : i32
      %dma_start3A_70 = arith.constant 0 : i32
      %dma_start3A_71 = tpu.memref_slice %arg4[%mul3A_4, %dma_start3A_69, %dma_start3A_70] : memref<2528x1x128xi32, #tpu.memory_space<hbm>> -> memref<79x1x128xi32, #tpu.memory_space<hbm>>
      tpu.enqueue_dma source(%dma_start3A_71 : memref<79x1x128xi32, #tpu.memory_space<hbm>>) target(%arg10 : memref<79x1x128xi32, #tpu.memory_space<vmem>>) target_semaphore(%run_scoped3A_66 : memref<!tpu.dma_semaphore, #tpu.memory_space<semaphore_mem>>)
      %dma_wait3A = arith.constant 0 : i32
      %dma_wait3A_72 = arith.constant 0 : i32
      %dma_wait3A_73 = tpu.memref_slice %arg4[%mul3A_4, %dma_wait3A, %dma_wait3A_72] : memref<2528x1x128xi32, #tpu.memory_space<hbm>> -> memref<79x1x128xi32, #tpu.memory_space<hbm>>
      %dma_wait3A_74 = arith.constant 0 : i32
      %dma_wait3A_75 = arith.constant 0 : i32
      %dma_wait3A_76 = tpu.memref_slice %arg4[%mul3A_4, %dma_wait3A_74, %dma_wait3A_75] : memref<2528x1x128xi32, #tpu.memory_space<hbm>> -> memref<79x1x128xi32, #tpu.memory_space<hbm>>
      tpu.wait_dma2 semaphore(%run_scoped3A_66 : memref<!tpu.dma_semaphore, #tpu.memory_space<semaphore_mem>>) src(%dma_wait3A_76 : memref<79x1x128xi32, #tpu.memory_space<hbm>>) dst(%arg10 : memref<79x1x128xi32, #tpu.memory_space<vmem>>)
      tpu.yield
    }) : () -> ()
    "tpu.region"() ({
      %run_scoped3A_66 = tpu.sem_alloc : memref<!tpu.dma_semaphore, #tpu.memory_space<semaphore_mem>>
      tpu.enqueue_dma source(%arg5 : memref<128x128xf32, #tpu.memory_space<hbm>>) target(%arg11 : memref<128x128xf32, #tpu.memory_space<vmem>>) target_semaphore(%run_scoped3A_66 : memref<!tpu.dma_semaphore, #tpu.memory_space<semaphore_mem>>)
      tpu.wait_dma2 semaphore(%run_scoped3A_66 : memref<!tpu.dma_semaphore, #tpu.memory_space<semaphore_mem>>) src(%arg5 : memref<128x128xf32, #tpu.memory_space<hbm>>) dst(%arg11 : memref<128x128xf32, #tpu.memory_space<vmem>>)
      tpu.yield
    }) : () -> ()
    %mul3A_5 = arith.constant 640 : i32
    %mul3A_6 = arith.muli %arg1, %mul3A_5 : i32
    %add3A_7 = arith.constant 0 : i32
    %add3A_8 = arith.addi %mul3A_6, %add3A_7 : i32
    "tpu.region"() ({
      %run_scoped3A_66 = tpu.sem_alloc : memref<!tpu.dma_semaphore, #tpu.memory_space<semaphore_mem>>
      %dma_start3A = arith.constant 0 : i32
      %dma_start3A_67 = tpu.memref_slice %arg14[%add3A_8, %dma_start3A] : memref<10240x128xf32, #tpu.memory_space<vmem_shared>> -> memref<128x128xf32, #tpu.memory_space<vmem_shared>>
      %dma_start3A_68 = arith.constant 0 : i32
      %dma_start3A_69 = tpu.memref_slice %arg14[%add3A_8, %dma_start3A_68] : memref<10240x128xf32, #tpu.memory_space<vmem_shared>> -> memref<128x128xf32, #tpu.memory_space<vmem_shared>>
      tpu.enqueue_dma source(%arg11 : memref<128x128xf32, #tpu.memory_space<vmem>>) target(%dma_start3A_69 : memref<128x128xf32, #tpu.memory_space<vmem_shared>>) target_semaphore(%run_scoped3A_66 : memref<!tpu.dma_semaphore, #tpu.memory_space<semaphore_mem>>)
      %dma_wait3A = arith.constant 0 : i32
      %dma_wait3A_70 = tpu.memref_slice %arg14[%add3A_8, %dma_wait3A] : memref<10240x128xf32, #tpu.memory_space<vmem_shared>> -> memref<128x128xf32, #tpu.memory_space<vmem_shared>>
      %dma_wait3A_71 = arith.constant 0 : i32
      %dma_wait3A_72 = tpu.memref_slice %arg14[%add3A_8, %dma_wait3A_71] : memref<10240x128xf32, #tpu.memory_space<vmem_shared>> -> memref<128x128xf32, #tpu.memory_space<vmem_shared>>
      tpu.wait_dma2 semaphore(%run_scoped3A_66 : memref<!tpu.dma_semaphore, #tpu.memory_space<semaphore_mem>>) src(%arg11 : memref<128x128xf32, #tpu.memory_space<vmem>>) dst(%dma_wait3A_72 : memref<128x128xf32, #tpu.memory_space<vmem_shared>>)
      tpu.yield
    }) : () -> ()
    %mul3A_9 = arith.constant 640 : i32
    %mul3A_10 = arith.muli %arg1, %mul3A_9 : i32
    %add3A_11 = arith.constant 128 : i32
    %add3A_12 = arith.addi %mul3A_10, %add3A_11 : i32
    "tpu.region"() ({
      %run_scoped3A_66 = tpu.sem_alloc : memref<!tpu.dma_semaphore, #tpu.memory_space<semaphore_mem>>
      %dma_start3A = arith.constant 0 : i32
      %dma_start3A_67 = tpu.memref_slice %arg14[%add3A_12, %dma_start3A] : memref<10240x128xf32, #tpu.memory_space<vmem_shared>> -> memref<128x128xf32, #tpu.memory_space<vmem_shared>>
      %dma_start3A_68 = arith.constant 0 : i32
      %dma_start3A_69 = tpu.memref_slice %arg14[%add3A_12, %dma_start3A_68] : memref<10240x128xf32, #tpu.memory_space<vmem_shared>> -> memref<128x128xf32, #tpu.memory_space<vmem_shared>>
      tpu.enqueue_dma source(%arg11 : memref<128x128xf32, #tpu.memory_space<vmem>>) target(%dma_start3A_69 : memref<128x128xf32, #tpu.memory_space<vmem_shared>>) target_semaphore(%run_scoped3A_66 : memref<!tpu.dma_semaphore, #tpu.memory_space<semaphore_mem>>)
      %dma_wait3A = arith.constant 0 : i32
      %dma_wait3A_70 = tpu.memref_slice %arg14[%add3A_12, %dma_wait3A] : memref<10240x128xf32, #tpu.memory_space<vmem_shared>> -> memref<128x128xf32, #tpu.memory_space<vmem_shared>>
      %dma_wait3A_71 = arith.constant 0 : i32
      %dma_wait3A_72 = tpu.memref_slice %arg14[%add3A_12, %dma_wait3A_71] : memref<10240x128xf32, #tpu.memory_space<vmem_shared>> -> memref<128x128xf32, #tpu.memory_space<vmem_shared>>
      tpu.wait_dma2 semaphore(%run_scoped3A_66 : memref<!tpu.dma_semaphore, #tpu.memory_space<semaphore_mem>>) src(%arg11 : memref<128x128xf32, #tpu.memory_space<vmem>>) dst(%dma_wait3A_72 : memref<128x128xf32, #tpu.memory_space<vmem_shared>>)
      tpu.yield
    }) : () -> ()
    %mul3A_13 = arith.constant 640 : i32
    %mul3A_14 = arith.muli %arg1, %mul3A_13 : i32
    %add3A_15 = arith.constant 256 : i32
    %add3A_16 = arith.addi %mul3A_14, %add3A_15 : i32
    "tpu.region"() ({
      %run_scoped3A_66 = tpu.sem_alloc : memref<!tpu.dma_semaphore, #tpu.memory_space<semaphore_mem>>
      %dma_start3A = arith.constant 0 : i32
      %dma_start3A_67 = tpu.memref_slice %arg14[%add3A_16, %dma_start3A] : memref<10240x128xf32, #tpu.memory_space<vmem_shared>> -> memref<128x128xf32, #tpu.memory_space<vmem_shared>>
      %dma_start3A_68 = arith.constant 0 : i32
      %dma_start3A_69 = tpu.memref_slice %arg14[%add3A_16, %dma_start3A_68] : memref<10240x128xf32, #tpu.memory_space<vmem_shared>> -> memref<128x128xf32, #tpu.memory_space<vmem_shared>>
      tpu.enqueue_dma source(%arg11 : memref<128x128xf32, #tpu.memory_space<vmem>>) target(%dma_start3A_69 : memref<128x128xf32, #tpu.memory_space<vmem_shared>>) target_semaphore(%run_scoped3A_66 : memref<!tpu.dma_semaphore, #tpu.memory_space<semaphore_mem>>)
      %dma_wait3A = arith.constant 0 : i32
      %dma_wait3A_70 = tpu.memref_slice %arg14[%add3A_16, %dma_wait3A] : memref<10240x128xf32, #tpu.memory_space<vmem_shared>> -> memref<128x128xf32, #tpu.memory_space<vmem_shared>>
      %dma_wait3A_71 = arith.constant 0 : i32
      %dma_wait3A_72 = tpu.memref_slice %arg14[%add3A_16, %dma_wait3A_71] : memref<10240x128xf32, #tpu.memory_space<vmem_shared>> -> memref<128x128xf32, #tpu.memory_space<vmem_shared>>
      tpu.wait_dma2 semaphore(%run_scoped3A_66 : memref<!tpu.dma_semaphore, #tpu.memory_space<semaphore_mem>>) src(%arg11 : memref<128x128xf32, #tpu.memory_space<vmem>>) dst(%dma_wait3A_72 : memref<128x128xf32, #tpu.memory_space<vmem_shared>>)
      tpu.yield
    }) : () -> ()
    %mul3A_17 = arith.constant 640 : i32
    %mul3A_18 = arith.muli %arg1, %mul3A_17 : i32
    %add3A_19 = arith.constant 384 : i32
    %add3A_20 = arith.addi %mul3A_18, %add3A_19 : i32
    "tpu.region"() ({
      %run_scoped3A_66 = tpu.sem_alloc : memref<!tpu.dma_semaphore, #tpu.memory_space<semaphore_mem>>
      %dma_start3A = arith.constant 0 : i32
      %dma_start3A_67 = tpu.memref_slice %arg14[%add3A_20, %dma_start3A] : memref<10240x128xf32, #tpu.memory_space<vmem_shared>> -> memref<128x128xf32, #tpu.memory_space<vmem_shared>>
      %dma_start3A_68 = arith.constant 0 : i32
      %dma_start3A_69 = tpu.memref_slice %arg14[%add3A_20, %dma_start3A_68] : memref<10240x128xf32, #tpu.memory_space<vmem_shared>> -> memref<128x128xf32, #tpu.memory_space<vmem_shared>>
      tpu.enqueue_dma source(%arg11 : memref<128x128xf32, #tpu.memory_space<vmem>>) target(%dma_start3A_69 : memref<128x128xf32, #tpu.memory_space<vmem_shared>>) target_semaphore(%run_scoped3A_66 : memref<!tpu.dma_semaphore, #tpu.memory_space<semaphore_mem>>)
      %dma_wait3A = arith.constant 0 : i32
      %dma_wait3A_70 = tpu.memref_slice %arg14[%add3A_20, %dma_wait3A] : memref<10240x128xf32, #tpu.memory_space<vmem_shared>> -> memref<128x128xf32, #tpu.memory_space<vmem_shared>>
      %dma_wait3A_71 = arith.constant 0 : i32
      %dma_wait3A_72 = tpu.memref_slice %arg14[%add3A_20, %dma_wait3A_71] : memref<10240x128xf32, #tpu.memory_space<vmem_shared>> -> memref<128x128xf32, #tpu.memory_space<vmem_shared>>
      tpu.wait_dma2 semaphore(%run_scoped3A_66 : memref<!tpu.dma_semaphore, #tpu.memory_space<semaphore_mem>>) src(%arg11 : memref<128x128xf32, #tpu.memory_space<vmem>>) dst(%dma_wait3A_72 : memref<128x128xf32, #tpu.memory_space<vmem_shared>>)
      tpu.yield
    }) : () -> ()
    %mul3A_21 = arith.constant 640 : i32
    %mul3A_22 = arith.muli %arg1, %mul3A_21 : i32
    %add3A_23 = arith.constant 512 : i32
    %add3A_24 = arith.addi %mul3A_22, %add3A_23 : i32
    "tpu.region"() ({
      %run_scoped3A_66 = tpu.sem_alloc : memref<!tpu.dma_semaphore, #tpu.memory_space<semaphore_mem>>
      %dma_start3A = arith.constant 0 : i32
      %dma_start3A_67 = tpu.memref_slice %arg14[%add3A_24, %dma_start3A] : memref<10240x128xf32, #tpu.memory_space<vmem_shared>> -> memref<128x128xf32, #tpu.memory_space<vmem_shared>>
      %dma_start3A_68 = arith.constant 0 : i32
      %dma_start3A_69 = tpu.memref_slice %arg14[%add3A_24, %dma_start3A_68] : memref<10240x128xf32, #tpu.memory_space<vmem_shared>> -> memref<128x128xf32, #tpu.memory_space<vmem_shared>>
      tpu.enqueue_dma source(%arg11 : memref<128x128xf32, #tpu.memory_space<vmem>>) target(%dma_start3A_69 : memref<128x128xf32, #tpu.memory_space<vmem_shared>>) target_semaphore(%run_scoped3A_66 : memref<!tpu.dma_semaphore, #tpu.memory_space<semaphore_mem>>)
      %dma_wait3A = arith.constant 0 : i32
      %dma_wait3A_70 = tpu.memref_slice %arg14[%add3A_24, %dma_wait3A] : memref<10240x128xf32, #tpu.memory_space<vmem_shared>> -> memref<128x128xf32, #tpu.memory_space<vmem_shared>>
      %dma_wait3A_71 = arith.constant 0 : i32
      %dma_wait3A_72 = tpu.memref_slice %arg14[%add3A_24, %dma_wait3A_71] : memref<10240x128xf32, #tpu.memory_space<vmem_shared>> -> memref<128x128xf32, #tpu.memory_space<vmem_shared>>
      tpu.wait_dma2 semaphore(%run_scoped3A_66 : memref<!tpu.dma_semaphore, #tpu.memory_space<semaphore_mem>>) src(%arg11 : memref<128x128xf32, #tpu.memory_space<vmem>>) dst(%dma_wait3A_72 : memref<128x128xf32, #tpu.memory_space<vmem_shared>>)
      tpu.yield
    }) : () -> ()
    %mul3A_25 = arith.constant 640 : i32
    %mul3A_26 = arith.muli %arg1, %mul3A_25 : i32
    %add3A_27 = arith.constant 0 : i32
    %add3A_28 = arith.addi %mul3A_26, %add3A_27 : i32
    %run_scoped3A = arith.constant 0 : i32
    "tpu.region"() ({
      %run_scoped3A_66 = tpu.sem_alloc : memref<!tpu.dma_semaphore, #tpu.memory_space<semaphore_mem>>
      %dma_start3A = arith.constant 0 : i32
      %dma_start3A_67 = tpu.memref_slice %arg11[%run_scoped3A, %dma_start3A] : memref<128x128xf32, #tpu.memory_space<vmem>> -> memref<1x128xf32, #tpu.memory_space<vmem>>
      %dma_start3A_68 = tpu.memref_squeeze %dma_start3A_67 : memref<1x128xf32, #tpu.memory_space<vmem>> -> memref<128xf32, #tpu.memory_space<vmem>>
      %dma_start3A_69 = tpu.memref_slice %arg15[%add3A_28] : memref<10240xf32, #tpu.memory_space<vmem_shared>> -> memref<128xf32, #tpu.memory_space<vmem_shared>>
      %dma_start3A_70 = tpu.memref_slice %arg15[%add3A_28] : memref<10240xf32, #tpu.memory_space<vmem_shared>> -> memref<128xf32, #tpu.memory_space<vmem_shared>>
      %dma_start3A_71 = arith.constant 0 : i32
      %dma_start3A_72 = tpu.memref_slice %arg11[%run_scoped3A, %dma_start3A_71] : memref<128x128xf32, #tpu.memory_space<vmem>> -> memref<1x128xf32, #tpu.memory_space<vmem>>
      %dma_start3A_73 = tpu.memref_squeeze %dma_start3A_72 : memref<1x128xf32, #tpu.memory_space<vmem>> -> memref<128xf32, #tpu.memory_space<vmem>>
      tpu.enqueue_dma source(%dma_start3A_73 : memref<128xf32, #tpu.memory_space<vmem>>) target(%dma_start3A_70 : memref<128xf32, #tpu.memory_space<vmem_shared>>) target_semaphore(%run_scoped3A_66 : memref<!tpu.dma_semaphore, #tpu.memory_space<semaphore_mem>>)
      %dma_wait3A = arith.constant 0 : i32
      %dma_wait3A_74 = tpu.memref_slice %arg11[%run_scoped3A, %dma_wait3A] : memref<128x128xf32, #tpu.memory_space<vmem>> -> memref<1x128xf32, #tpu.memory_space<vmem>>
      %dma_wait3A_75 = tpu.memref_squeeze %dma_wait3A_74 : memref<1x128xf32, #tpu.memory_space<vmem>> -> memref<128xf32, #tpu.memory_space<vmem>>
      %dma_wait3A_76 = tpu.memref_slice %arg15[%add3A_28] : memref<10240xf32, #tpu.memory_space<vmem_shared>> -> memref<128xf32, #tpu.memory_space<vmem_shared>>
      %dma_wait3A_77 = tpu.memref_slice %arg15[%add3A_28] : memref<10240xf32, #tpu.memory_space<vmem_shared>> -> memref<128xf32, #tpu.memory_space<vmem_shared>>
      %dma_wait3A_78 = arith.constant 0 : i32
      %dma_wait3A_79 = tpu.memref_slice %arg11[%run_scoped3A, %dma_wait3A_78] : memref<128x128xf32, #tpu.memory_space<vmem>> -> memref<1x128xf32, #tpu.memory_space<vmem>>
      %dma_wait3A_80 = tpu.memref_squeeze %dma_wait3A_79 : memref<1x128xf32, #tpu.memory_space<vmem>> -> memref<128xf32, #tpu.memory_space<vmem>>
      tpu.wait_dma2 semaphore(%run_scoped3A_66 : memref<!tpu.dma_semaphore, #tpu.memory_space<semaphore_mem>>) src(%dma_wait3A_80 : memref<128xf32, #tpu.memory_space<vmem>>) dst(%dma_wait3A_77 : memref<128xf32, #tpu.memory_space<vmem_shared>>)
      tpu.yield
    }) : () -> ()
    %mul3A_29 = arith.constant 640 : i32
    %mul3A_30 = arith.muli %arg1, %mul3A_29 : i32
    %add3A_31 = arith.constant 128 : i32
    %add3A_32 = arith.addi %mul3A_30, %add3A_31 : i32
    %run_scoped3A_33 = arith.constant 0 : i32
    "tpu.region"() ({
      %run_scoped3A_66 = tpu.sem_alloc : memref<!tpu.dma_semaphore, #tpu.memory_space<semaphore_mem>>
      %dma_start3A = arith.constant 0 : i32
      %dma_start3A_67 = tpu.memref_slice %arg11[%run_scoped3A_33, %dma_start3A] : memref<128x128xf32, #tpu.memory_space<vmem>> -> memref<1x128xf32, #tpu.memory_space<vmem>>
      %dma_start3A_68 = tpu.memref_squeeze %dma_start3A_67 : memref<1x128xf32, #tpu.memory_space<vmem>> -> memref<128xf32, #tpu.memory_space<vmem>>
      %dma_start3A_69 = tpu.memref_slice %arg15[%add3A_32] : memref<10240xf32, #tpu.memory_space<vmem_shared>> -> memref<128xf32, #tpu.memory_space<vmem_shared>>
      %dma_start3A_70 = tpu.memref_slice %arg15[%add3A_32] : memref<10240xf32, #tpu.memory_space<vmem_shared>> -> memref<128xf32, #tpu.memory_space<vmem_shared>>
      %dma_start3A_71 = arith.constant 0 : i32
      %dma_start3A_72 = tpu.memref_slice %arg11[%run_scoped3A_33, %dma_start3A_71] : memref<128x128xf32, #tpu.memory_space<vmem>> -> memref<1x128xf32, #tpu.memory_space<vmem>>
      %dma_start3A_73 = tpu.memref_squeeze %dma_start3A_72 : memref<1x128xf32, #tpu.memory_space<vmem>> -> memref<128xf32, #tpu.memory_space<vmem>>
      tpu.enqueue_dma source(%dma_start3A_73 : memref<128xf32, #tpu.memory_space<vmem>>) target(%dma_start3A_70 : memref<128xf32, #tpu.memory_space<vmem_shared>>) target_semaphore(%run_scoped3A_66 : memref<!tpu.dma_semaphore, #tpu.memory_space<semaphore_mem>>)
      %dma_wait3A = arith.constant 0 : i32
      %dma_wait3A_74 = tpu.memref_slice %arg11[%run_scoped3A_33, %dma_wait3A] : memref<128x128xf32, #tpu.memory_space<vmem>> -> memref<1x128xf32, #tpu.memory_space<vmem>>
      %dma_wait3A_75 = tpu.memref_squeeze %dma_wait3A_74 : memref<1x128xf32, #tpu.memory_space<vmem>> -> memref<128xf32, #tpu.memory_space<vmem>>
      %dma_wait3A_76 = tpu.memref_slice %arg15[%add3A_32] : memref<10240xf32, #tpu.memory_space<vmem_shared>> -> memref<128xf32, #tpu.memory_space<vmem_shared>>
      %dma_wait3A_77 = tpu.memref_slice %arg15[%add3A_32] : memref<10240xf32, #tpu.memory_space<vmem_shared>> -> memref<128xf32, #tpu.memory_space<vmem_shared>>
      %dma_wait3A_78 = arith.constant 0 : i32
      %dma_wait3A_79 = tpu.memref_slice %arg11[%run_scoped3A_33, %dma_wait3A_78] : memref<128x128xf32, #tpu.memory_space<vmem>> -> memref<1x128xf32, #tpu.memory_space<vmem>>
      %dma_wait3A_80 = tpu.memref_squeeze %dma_wait3A_79 : memref<1x128xf32, #tpu.memory_space<vmem>> -> memref<128xf32, #tpu.memory_space<vmem>>
      tpu.wait_dma2 semaphore(%run_scoped3A_66 : memref<!tpu.dma_semaphore, #tpu.memory_space<semaphore_mem>>) src(%dma_wait3A_80 : memref<128xf32, #tpu.memory_space<vmem>>) dst(%dma_wait3A_77 : memref<128xf32, #tpu.memory_space<vmem_shared>>)
      tpu.yield
    }) : () -> ()
    %mul3A_34 = arith.constant 640 : i32
    %mul3A_35 = arith.muli %arg1, %mul3A_34 : i32
    %add3A_36 = arith.constant 256 : i32
    %add3A_37 = arith.addi %mul3A_35, %add3A_36 : i32
    %run_scoped3A_38 = arith.constant 0 : i32
    "tpu.region"() ({
      %run_scoped3A_66 = tpu.sem_alloc : memref<!tpu.dma_semaphore, #tpu.memory_space<semaphore_mem>>
      %dma_start3A = arith.constant 0 : i32
      %dma_start3A_67 = tpu.memref_slice %arg11[%run_scoped3A_38, %dma_start3A] : memref<128x128xf32, #tpu.memory_space<vmem>> -> memref<1x128xf32, #tpu.memory_space<vmem>>
      %dma_start3A_68 = tpu.memref_squeeze %dma_start3A_67 : memref<1x128xf32, #tpu.memory_space<vmem>> -> memref<128xf32, #tpu.memory_space<vmem>>
      %dma_start3A_69 = tpu.memref_slice %arg15[%add3A_37] : memref<10240xf32, #tpu.memory_space<vmem_shared>> -> memref<128xf32, #tpu.memory_space<vmem_shared>>
      %dma_start3A_70 = tpu.memref_slice %arg15[%add3A_37] : memref<10240xf32, #tpu.memory_space<vmem_shared>> -> memref<128xf32, #tpu.memory_space<vmem_shared>>
      %dma_start3A_71 = arith.constant 0 : i32
      %dma_start3A_72 = tpu.memref_slice %arg11[%run_scoped3A_38, %dma_start3A_71] : memref<128x128xf32, #tpu.memory_space<vmem>> -> memref<1x128xf32, #tpu.memory_space<vmem>>
      %dma_start3A_73 = tpu.memref_squeeze %dma_start3A_72 : memref<1x128xf32, #tpu.memory_space<vmem>> -> memref<128xf32, #tpu.memory_space<vmem>>
      tpu.enqueue_dma source(%dma_start3A_73 : memref<128xf32, #tpu.memory_space<vmem>>) target(%dma_start3A_70 : memref<128xf32, #tpu.memory_space<vmem_shared>>) target_semaphore(%run_scoped3A_66 : memref<!tpu.dma_semaphore, #tpu.memory_space<semaphore_mem>>)
      %dma_wait3A = arith.constant 0 : i32
      %dma_wait3A_74 = tpu.memref_slice %arg11[%run_scoped3A_38, %dma_wait3A] : memref<128x128xf32, #tpu.memory_space<vmem>> -> memref<1x128xf32, #tpu.memory_space<vmem>>
      %dma_wait3A_75 = tpu.memref_squeeze %dma_wait3A_74 : memref<1x128xf32, #tpu.memory_space<vmem>> -> memref<128xf32, #tpu.memory_space<vmem>>
      %dma_wait3A_76 = tpu.memref_slice %arg15[%add3A_37] : memref<10240xf32, #tpu.memory_space<vmem_shared>> -> memref<128xf32, #tpu.memory_space<vmem_shared>>
      %dma_wait3A_77 = tpu.memref_slice %arg15[%add3A_37] : memref<10240xf32, #tpu.memory_space<vmem_shared>> -> memref<128xf32, #tpu.memory_space<vmem_shared>>
      %dma_wait3A_78 = arith.constant 0 : i32
      %dma_wait3A_79 = tpu.memref_slice %arg11[%run_scoped3A_38, %dma_wait3A_78] : memref<128x128xf32, #tpu.memory_space<vmem>> -> memref<1x128xf32, #tpu.memory_space<vmem>>
      %dma_wait3A_80 = tpu.memref_squeeze %dma_wait3A_79 : memref<1x128xf32, #tpu.memory_space<vmem>> -> memref<128xf32, #tpu.memory_space<vmem>>
      tpu.wait_dma2 semaphore(%run_scoped3A_66 : memref<!tpu.dma_semaphore, #tpu.memory_space<semaphore_mem>>) src(%dma_wait3A_80 : memref<128xf32, #tpu.memory_space<vmem>>) dst(%dma_wait3A_77 : memref<128xf32, #tpu.memory_space<vmem_shared>>)
      tpu.yield
    }) : () -> ()
    %mul3A_39 = arith.constant 640 : i32
    %mul3A_40 = arith.muli %arg1, %mul3A_39 : i32
    %add3A_41 = arith.constant 384 : i32
    %add3A_42 = arith.addi %mul3A_40, %add3A_41 : i32
    %run_scoped3A_43 = arith.constant 0 : i32
    "tpu.region"() ({
      %run_scoped3A_66 = tpu.sem_alloc : memref<!tpu.dma_semaphore, #tpu.memory_space<semaphore_mem>>
      %dma_start3A = arith.constant 0 : i32
      %dma_start3A_67 = tpu.memref_slice %arg11[%run_scoped3A_43, %dma_start3A] : memref<128x128xf32, #tpu.memory_space<vmem>> -> memref<1x128xf32, #tpu.memory_space<vmem>>
      %dma_start3A_68 = tpu.memref_squeeze %dma_start3A_67 : memref<1x128xf32, #tpu.memory_space<vmem>> -> memref<128xf32, #tpu.memory_space<vmem>>
      %dma_start3A_69 = tpu.memref_slice %arg15[%add3A_42] : memref<10240xf32, #tpu.memory_space<vmem_shared>> -> memref<128xf32, #tpu.memory_space<vmem_shared>>
      %dma_start3A_70 = tpu.memref_slice %arg15[%add3A_42] : memref<10240xf32, #tpu.memory_space<vmem_shared>> -> memref<128xf32, #tpu.memory_space<vmem_shared>>
      %dma_start3A_71 = arith.constant 0 : i32
      %dma_start3A_72 = tpu.memref_slice %arg11[%run_scoped3A_43, %dma_start3A_71] : memref<128x128xf32, #tpu.memory_space<vmem>> -> memref<1x128xf32, #tpu.memory_space<vmem>>
      %dma_start3A_73 = tpu.memref_squeeze %dma_start3A_72 : memref<1x128xf32, #tpu.memory_space<vmem>> -> memref<128xf32, #tpu.memory_space<vmem>>
      tpu.enqueue_dma source(%dma_start3A_73 : memref<128xf32, #tpu.memory_space<vmem>>) target(%dma_start3A_70 : memref<128xf32, #tpu.memory_space<vmem_shared>>) target_semaphore(%run_scoped3A_66 : memref<!tpu.dma_semaphore, #tpu.memory_space<semaphore_mem>>)
      %dma_wait3A = arith.constant 0 : i32
      %dma_wait3A_74 = tpu.memref_slice %arg11[%run_scoped3A_43, %dma_wait3A] : memref<128x128xf32, #tpu.memory_space<vmem>> -> memref<1x128xf32, #tpu.memory_space<vmem>>
      %dma_wait3A_75 = tpu.memref_squeeze %dma_wait3A_74 : memref<1x128xf32, #tpu.memory_space<vmem>> -> memref<128xf32, #tpu.memory_space<vmem>>
      %dma_wait3A_76 = tpu.memref_slice %arg15[%add3A_42] : memref<10240xf32, #tpu.memory_space<vmem_shared>> -> memref<128xf32, #tpu.memory_space<vmem_shared>>
      %dma_wait3A_77 = tpu.memref_slice %arg15[%add3A_42] : memref<10240xf32, #tpu.memory_space<vmem_shared>> -> memref<128xf32, #tpu.memory_space<vmem_shared>>
      %dma_wait3A_78 = arith.constant 0 : i32
      %dma_wait3A_79 = tpu.memref_slice %arg11[%run_scoped3A_43, %dma_wait3A_78] : memref<128x128xf32, #tpu.memory_space<vmem>> -> memref<1x128xf32, #tpu.memory_space<vmem>>
      %dma_wait3A_80 = tpu.memref_squeeze %dma_wait3A_79 : memref<1x128xf32, #tpu.memory_space<vmem>> -> memref<128xf32, #tpu.memory_space<vmem>>
      tpu.wait_dma2 semaphore(%run_scoped3A_66 : memref<!tpu.dma_semaphore, #tpu.memory_space<semaphore_mem>>) src(%dma_wait3A_80 : memref<128xf32, #tpu.memory_space<vmem>>) dst(%dma_wait3A_77 : memref<128xf32, #tpu.memory_space<vmem_shared>>)
      tpu.yield
    }) : () -> ()
    %mul3A_44 = arith.constant 640 : i32
    %mul3A_45 = arith.muli %arg1, %mul3A_44 : i32
    %add3A_46 = arith.constant 512 : i32
    %add3A_47 = arith.addi %mul3A_45, %add3A_46 : i32
    %run_scoped3A_48 = arith.constant 0 : i32
    "tpu.region"() ({
      %run_scoped3A_66 = tpu.sem_alloc : memref<!tpu.dma_semaphore, #tpu.memory_space<semaphore_mem>>
      %dma_start3A = arith.constant 0 : i32
      %dma_start3A_67 = tpu.memref_slice %arg11[%run_scoped3A_48, %dma_start3A] : memref<128x128xf32, #tpu.memory_space<vmem>> -> memref<1x128xf32, #tpu.memory_space<vmem>>
      %dma_start3A_68 = tpu.memref_squeeze %dma_start3A_67 : memref<1x128xf32, #tpu.memory_space<vmem>> -> memref<128xf32, #tpu.memory_space<vmem>>
      %dma_start3A_69 = tpu.memref_slice %arg15[%add3A_47] : memref<10240xf32, #tpu.memory_space<vmem_shared>> -> memref<128xf32, #tpu.memory_space<vmem_shared>>
      %dma_start3A_70 = tpu.memref_slice %arg15[%add3A_47] : memref<10240xf32, #tpu.memory_space<vmem_shared>> -> memref<128xf32, #tpu.memory_space<vmem_shared>>
      %dma_start3A_71 = arith.constant 0 : i32
      %dma_start3A_72 = tpu.memref_slice %arg11[%run_scoped3A_48, %dma_start3A_71] : memref<128x128xf32, #tpu.memory_space<vmem>> -> memref<1x128xf32, #tpu.memory_space<vmem>>
      %dma_start3A_73 = tpu.memref_squeeze %dma_start3A_72 : memref<1x128xf32, #tpu.memory_space<vmem>> -> memref<128xf32, #tpu.memory_space<vmem>>
      tpu.enqueue_dma source(%dma_start3A_73 : memref<128xf32, #tpu.memory_space<vmem>>) target(%dma_start3A_70 : memref<128xf32, #tpu.memory_space<vmem_shared>>) target_semaphore(%run_scoped3A_66 : memref<!tpu.dma_semaphore, #tpu.memory_space<semaphore_mem>>)
      %dma_wait3A = arith.constant 0 : i32
      %dma_wait3A_74 = tpu.memref_slice %arg11[%run_scoped3A_48, %dma_wait3A] : memref<128x128xf32, #tpu.memory_space<vmem>> -> memref<1x128xf32, #tpu.memory_space<vmem>>
      %dma_wait3A_75 = tpu.memref_squeeze %dma_wait3A_74 : memref<1x128xf32, #tpu.memory_space<vmem>> -> memref<128xf32, #tpu.memory_space<vmem>>
      %dma_wait3A_76 = tpu.memref_slice %arg15[%add3A_47] : memref<10240xf32, #tpu.memory_space<vmem_shared>> -> memref<128xf32, #tpu.memory_space<vmem_shared>>
      %dma_wait3A_77 = tpu.memref_slice %arg15[%add3A_47] : memref<10240xf32, #tpu.memory_space<vmem_shared>> -> memref<128xf32, #tpu.memory_space<vmem_shared>>
      %dma_wait3A_78 = arith.constant 0 : i32
      %dma_wait3A_79 = tpu.memref_slice %arg11[%run_scoped3A_48, %dma_wait3A_78] : memref<128x128xf32, #tpu.memory_space<vmem>> -> memref<1x128xf32, #tpu.memory_space<vmem>>
      %dma_wait3A_80 = tpu.memref_squeeze %dma_wait3A_79 : memref<1x128xf32, #tpu.memory_space<vmem>> -> memref<128xf32, #tpu.memory_space<vmem>>
      tpu.wait_dma2 semaphore(%run_scoped3A_66 : memref<!tpu.dma_semaphore, #tpu.memory_space<semaphore_mem>>) src(%dma_wait3A_80 : memref<128xf32, #tpu.memory_space<vmem>>) dst(%dma_wait3A_77 : memref<128xf32, #tpu.memory_space<vmem_shared>>)
      tpu.yield
    }) : () -> ()
    "tpu.region"() ({
      %run_scoped3A_66 = tpu.sem_alloc : memref<!tpu.dma_semaphore, #tpu.memory_space<semaphore_mem>>
      tpu.enqueue_dma source(%arg6 : memref<128xf32, #tpu.memory_space<hbm>>) target(%arg12 : memref<128xf32, #tpu.memory_space<vmem>>) target_semaphore(%run_scoped3A_66 : memref<!tpu.dma_semaphore, #tpu.memory_space<semaphore_mem>>)
      tpu.wait_dma2 semaphore(%run_scoped3A_66 : memref<!tpu.dma_semaphore, #tpu.memory_space<semaphore_mem>>) src(%arg6 : memref<128xf32, #tpu.memory_space<hbm>>) dst(%arg12 : memref<128xf32, #tpu.memory_space<vmem>>)
      tpu.yield
    }) : () -> ()
    %barrier3A = arith.constant 0 : index
    tpu.barrier barrier_id(%barrier3A)
    %scan3A = arith.constant 0 : i32
    %scan3A_49 = arith.constant 0 : i32
    %scan3A_50 = arith.constant 79 : i32
    %scan3A_51 = arith.addi %scan3A_49, %scan3A_50 : i32
    %scan3A_52 = arith.constant 1 : i32
    scf.for %scan3A_66 = %scan3A_49 to %scan3A_51 step %scan3A_52  : i32 {
      %dma_start3A = arith.constant 0 : i32
      %dma_start3A_67 = arith.constant 0 : i32
      %dma_start3A_68 = tpu.memref_slice %arg9[%scan3A_66, %dma_start3A, %dma_start3A_67] : memref<79x1x128xi32, #tpu.memory_space<vmem>> -> memref<1x1x128xi32, #tpu.memory_space<vmem>>
      %dma_start3A_69 = tpu.memref_squeeze %dma_start3A_68 : memref<1x1x128xi32, #tpu.memory_space<vmem>> -> memref<128xi32, #tpu.memory_space<vmem>>
      %dma_start3A_70 = arith.constant 0 : i32
      %dma_start3A_71 = arith.constant 0 : i32
      %dma_start3A_72 = tpu.memref_slice %arg2[%dma_start3A_70, %dma_start3A_71] : memref<10000x128xf32, #tpu.memory_space<hbm>> -> memref<10000x128xf32, #tpu.memory_space<hbm>>
      tpu.enqueue_indirect_dma source(%dma_start3A_72 : memref<10000x128xf32, #tpu.memory_space<hbm>>) target(%arg11 : memref<128x128xf32, #tpu.memory_space<vmem>>) offsets(%dma_start3A_69 : memref<128xi32, #tpu.memory_space<vmem>>) semaphore(%arg16 : memref<!tpu.dma_semaphore, #tpu.memory_space<semaphore_mem>>)
      %dma_wait3A = arith.constant 0 : i32
      %dma_wait3A_73 = arith.constant 0 : i32
      %dma_wait3A_74 = tpu.memref_slice %arg9[%scan3A_66, %dma_wait3A, %dma_wait3A_73] : memref<79x1x128xi32, #tpu.memory_space<vmem>> -> memref<1x1x128xi32, #tpu.memory_space<vmem>>
      %dma_wait3A_75 = tpu.memref_squeeze %dma_wait3A_74 : memref<1x1x128xi32, #tpu.memory_space<vmem>> -> memref<128xi32, #tpu.memory_space<vmem>>
      %dma_wait3A_76 = arith.constant 0 : i32
      %dma_wait3A_77 = arith.constant 0 : i32
      %dma_wait3A_78 = tpu.memref_slice %arg2[%dma_wait3A_76, %dma_wait3A_77] : memref<10000x128xf32, #tpu.memory_space<hbm>> -> memref<10000x128xf32, #tpu.memory_space<hbm>>
      tpu.wait_indirect_dma semaphore(%arg16 : memref<!tpu.dma_semaphore, #tpu.memory_space<semaphore_mem>>) src(%dma_wait3A_78 : memref<10000x128xf32, #tpu.memory_space<hbm>>) dst(%arg11 : memref<128x128xf32, #tpu.memory_space<vmem>>)
      %run_scoped3A_79 = arith.constant 0 : i32
      "tpu.region"() ({
        %run_scoped3A_81 = tpu.sem_alloc : memref<!tpu.dma_semaphore, #tpu.memory_space<semaphore_mem>>
        %dma_start3A_82 = arith.constant 0 : i32
        %dma_start3A_83 = tpu.memref_slice %arg10[%scan3A_66, %run_scoped3A_79, %dma_start3A_82] : memref<79x1x128xi32, #tpu.memory_space<vmem>> -> memref<1x1x128xi32, #tpu.memory_space<vmem>>
        %dma_start3A_84 = tpu.memref_squeeze %dma_start3A_83 : memref<1x1x128xi32, #tpu.memory_space<vmem>> -> memref<128xi32, #tpu.memory_space<vmem>>
        %dma_start3A_85 = arith.constant 0 : i32
        %dma_start3A_86 = arith.constant 0 : i32
        %dma_start3A_87 = tpu.memref_slice %arg14[%dma_start3A_85, %dma_start3A_86] : memref<10240x128xf32, #tpu.memory_space<vmem_shared>> -> memref<10240x128xf32, #tpu.memory_space<vmem_shared>>
        tpu.enqueue_indirect_dma source(%arg11 : memref<128x128xf32, #tpu.memory_space<vmem>>) target(%dma_start3A_87 : memref<10240x128xf32, #tpu.memory_space<vmem_shared>>) offsets(%dma_start3A_84 : memref<128xi32, #tpu.memory_space<vmem>>) semaphore(%run_scoped3A_81 : memref<!tpu.dma_semaphore, #tpu.memory_space<semaphore_mem>>) {add = true}
        %dma_wait3A_88 = arith.constant 0 : i32
        %dma_wait3A_89 = tpu.memref_slice %arg10[%scan3A_66, %run_scoped3A_79, %dma_wait3A_88] : memref<79x1x128xi32, #tpu.memory_space<vmem>> -> memref<1x1x128xi32, #tpu.memory_space<vmem>>
        %dma_wait3A_90 = tpu.memref_squeeze %dma_wait3A_89 : memref<1x1x128xi32, #tpu.memory_space<vmem>> -> memref<128xi32, #tpu.memory_space<vmem>>
        %dma_wait3A_91 = arith.constant 0 : i32
        %dma_wait3A_92 = arith.constant 0 : i32
        %dma_wait3A_93 = tpu.memref_slice %arg14[%dma_wait3A_91, %dma_wait3A_92] : memref<10240x128xf32, #tpu.memory_space<vmem_shared>> -> memref<10240x128xf32, #tpu.memory_space<vmem_shared>>
        tpu.wait_indirect_dma semaphore(%run_scoped3A_81 : memref<!tpu.dma_semaphore, #tpu.memory_space<semaphore_mem>>) src(%arg11 : memref<128x128xf32, #tpu.memory_space<vmem>>) dst(%dma_wait3A_93 : memref<10240x128xf32, #tpu.memory_space<vmem_shared>>)
        tpu.yield
      }) : () -> ()
      %run_scoped3A_80 = arith.constant 0 : i32
      "tpu.region"() ({
        %run_scoped3A_81 = tpu.sem_alloc : memref<!tpu.dma_semaphore, #tpu.memory_space<semaphore_mem>>
        %dma_start3A_82 = arith.constant 0 : i32
        %dma_start3A_83 = tpu.memref_slice %arg10[%scan3A_66, %run_scoped3A_80, %dma_start3A_82] : memref<79x1x128xi32, #tpu.memory_space<vmem>> -> memref<1x1x128xi32, #tpu.memory_space<vmem>>
        %dma_start3A_84 = tpu.memref_squeeze %dma_start3A_83 : memref<1x1x128xi32, #tpu.memory_space<vmem>> -> memref<128xi32, #tpu.memory_space<vmem>>
        %dma_start3A_85 = arith.constant 0 : i32
        %dma_start3A_86 = tpu.memref_slice %arg15[%dma_start3A_85] : memref<10240xf32, #tpu.memory_space<vmem_shared>> -> memref<10240xf32, #tpu.memory_space<vmem_shared>>
        tpu.enqueue_indirect_dma source(%arg12 : memref<128xf32, #tpu.memory_space<vmem>>) target(%dma_start3A_86 : memref<10240xf32, #tpu.memory_space<vmem_shared>>) offsets(%dma_start3A_84 : memref<128xi32, #tpu.memory_space<vmem>>) semaphore(%run_scoped3A_81 : memref<!tpu.dma_semaphore, #tpu.memory_space<semaphore_mem>>) {add = true}
        %dma_wait3A_87 = arith.constant 0 : i32
        %dma_wait3A_88 = tpu.memref_slice %arg10[%scan3A_66, %run_scoped3A_80, %dma_wait3A_87] : memref<79x1x128xi32, #tpu.memory_space<vmem>> -> memref<1x1x128xi32, #tpu.memory_space<vmem>>
        %dma_wait3A_89 = tpu.memref_squeeze %dma_wait3A_88 : memref<1x1x128xi32, #tpu.memory_space<vmem>> -> memref<128xi32, #tpu.memory_space<vmem>>
        %dma_wait3A_90 = arith.constant 0 : i32
        %dma_wait3A_91 = tpu.memref_slice %arg15[%dma_wait3A_90] : memref<10240xf32, #tpu.memory_space<vmem_shared>> -> memref<10240xf32, #tpu.memory_space<vmem_shared>>
        tpu.wait_indirect_dma semaphore(%run_scoped3A_81 : memref<!tpu.dma_semaphore, #tpu.memory_space<semaphore_mem>>) src(%arg12 : memref<128xf32, #tpu.memory_space<vmem>>) dst(%dma_wait3A_91 : memref<10240xf32, #tpu.memory_space<vmem_shared>>)
        tpu.yield
      }) : () -> ()
    }
    %scan3A_53 = arith.constant 79 : i32
    %barrier3A_54 = arith.constant 0 : index
    tpu.barrier barrier_id(%barrier3A_54)
    %mul3A_55 = arith.constant 640 : i32
    %mul3A_56 = arith.muli %arg1, %mul3A_55 : i32
    %mul3A_57 = arith.constant 640 : i32
    %mul3A_58 = arith.muli %arg1, %mul3A_57 : i32
    "tpu.region"() ({
      %run_scoped3A_66 = tpu.sem_alloc : memref<!tpu.dma_semaphore, #tpu.memory_space<semaphore_mem>>
      %dma_start3A = arith.constant 0 : i32
      %dma_start3A_67 = tpu.memref_slice %arg7[%arg0, %mul3A_58, %dma_start3A] : memref<2x10240x128xf32, #tpu.memory_space<hbm>> -> memref<1x640x128xf32, #tpu.memory_space<hbm>>
      %dma_start3A_68 = tpu.memref_squeeze %dma_start3A_67 : memref<1x640x128xf32, #tpu.memory_space<hbm>> -> memref<640x128xf32, #tpu.memory_space<hbm>>
      %dma_start3A_69 = arith.constant 0 : i32
      %dma_start3A_70 = tpu.memref_slice %arg14[%mul3A_56, %dma_start3A_69] : memref<10240x128xf32, #tpu.memory_space<vmem_shared>> -> memref<640x128xf32, #tpu.memory_space<vmem_shared>>
      tpu.enqueue_dma source(%dma_start3A_70 : memref<640x128xf32, #tpu.memory_space<vmem_shared>>) target(%dma_start3A_68 : memref<640x128xf32, #tpu.memory_space<hbm>>) target_semaphore(%run_scoped3A_66 : memref<!tpu.dma_semaphore, #tpu.memory_space<semaphore_mem>>)
      %dma_wait3A = arith.constant 0 : i32
      %dma_wait3A_71 = tpu.memref_slice %arg7[%arg0, %mul3A_58, %dma_wait3A] : memref<2x10240x128xf32, #tpu.memory_space<hbm>> -> memref<1x640x128xf32, #tpu.memory_space<hbm>>
      %dma_wait3A_72 = tpu.memref_squeeze %dma_wait3A_71 : memref<1x640x128xf32, #tpu.memory_space<hbm>> -> memref<640x128xf32, #tpu.memory_space<hbm>>
      %dma_wait3A_73 = arith.constant 0 : i32
      %dma_wait3A_74 = tpu.memref_slice %arg14[%mul3A_56, %dma_wait3A_73] : memref<10240x128xf32, #tpu.memory_space<vmem_shared>> -> memref<640x128xf32, #tpu.memory_space<vmem_shared>>
      tpu.wait_dma2 semaphore(%run_scoped3A_66 : memref<!tpu.dma_semaphore, #tpu.memory_space<semaphore_mem>>) src(%dma_wait3A_74 : memref<640x128xf32, #tpu.memory_space<vmem_shared>>) dst(%dma_wait3A_72 : memref<640x128xf32, #tpu.memory_space<hbm>>)
      tpu.yield
    }) : () -> ()
    %mul3A_59 = arith.constant 640 : i32
    %mul3A_60 = arith.muli %arg1, %mul3A_59 : i32
    "tpu.region"() ({
      %run_scoped3A_66 = tpu.sem_alloc : memref<!tpu.dma_semaphore, #tpu.memory_space<semaphore_mem>>
      %dma_start3A = tpu.memref_slice %arg15[%mul3A_60] : memref<10240xf32, #tpu.memory_space<vmem_shared>> -> memref<640xf32, #tpu.memory_space<vmem_shared>>
      %dma_start3A_67 = tpu.memref_slice %arg15[%mul3A_60] : memref<10240xf32, #tpu.memory_space<vmem_shared>> -> memref<640xf32, #tpu.memory_space<vmem_shared>>
      tpu.enqueue_dma source(%dma_start3A_67 : memref<640xf32, #tpu.memory_space<vmem_shared>>) target(%arg13 : memref<640xf32, #tpu.memory_space<vmem>>) target_semaphore(%run_scoped3A_66 : memref<!tpu.dma_semaphore, #tpu.memory_space<semaphore_mem>>)
      %dma_wait3A = tpu.memref_slice %arg15[%mul3A_60] : memref<10240xf32, #tpu.memory_space<vmem_shared>> -> memref<640xf32, #tpu.memory_space<vmem_shared>>
      %dma_wait3A_68 = tpu.memref_slice %arg15[%mul3A_60] : memref<10240xf32, #tpu.memory_space<vmem_shared>> -> memref<640xf32, #tpu.memory_space<vmem_shared>>
      tpu.wait_dma2 semaphore(%run_scoped3A_66 : memref<!tpu.dma_semaphore, #tpu.memory_space<semaphore_mem>>) src(%dma_wait3A_68 : memref<640xf32, #tpu.memory_space<vmem_shared>>) dst(%arg13 : memref<640xf32, #tpu.memory_space<vmem>>)
      tpu.yield
    }) : () -> ()
    %mul3A_61 = arith.constant 10240 : i32
    %mul3A_62 = arith.muli %arg0, %mul3A_61 : i32
    %mul3A_63 = arith.constant 640 : i32
    %mul3A_64 = arith.muli %arg1, %mul3A_63 : i32
    %add3A_65 = arith.addi %mul3A_62, %mul3A_64 : i32
    "tpu.region"() ({
      %run_scoped3A_66 = tpu.sem_alloc : memref<!tpu.dma_semaphore, #tpu.memory_space<semaphore_mem>>
      %dma_start3A = tpu.memref_slice %arg8[%add3A_65] : memref<20480xf32, #tpu.memory_space<hbm>> -> memref<640xf32, #tpu.memory_space<hbm>>
      %dma_start3A_67 = tpu.memref_slice %arg8[%add3A_65] : memref<20480xf32, #tpu.memory_space<hbm>> -> memref<640xf32, #tpu.memory_space<hbm>>
      tpu.enqueue_dma source(%arg13 : memref<640xf32, #tpu.memory_space<vmem>>) target(%dma_start3A_67 : memref<640xf32, #tpu.memory_space<hbm>>) target_semaphore(%run_scoped3A_66 : memref<!tpu.dma_semaphore, #tpu.memory_space<semaphore_mem>>)
      %dma_wait3A = tpu.memref_slice %arg8[%add3A_65] : memref<20480xf32, #tpu.memory_space<hbm>> -> memref<640xf32, #tpu.memory_space<hbm>>
      %dma_wait3A_68 = tpu.memref_slice %arg8[%add3A_65] : memref<20480xf32, #tpu.memory_space<hbm>> -> memref<640xf32, #tpu.memory_space<hbm>>
      tpu.wait_dma2 semaphore(%run_scoped3A_66 : memref<!tpu.dma_semaphore, #tpu.memory_space<semaphore_mem>>) src(%arg13 : memref<640xf32, #tpu.memory_space<vmem>>) dst(%dma_wait3A_68 : memref<640xf32, #tpu.memory_space<hbm>>)
      tpu.yield
    }) : () -> ()
    return
  }
}

module attributes {stable_mosaic.version = 14 : i64} {
  func.func @_tc_body(%arg0: i32, %arg1: memref<1xi32, #tpu.memory_space<smem>>, %arg2: memref<1000x128xf32, #tpu.memory_space<vmem>>, %arg3: memref<2x1000x128xf32, #tpu.memory_space<vmem>>, %arg4: memref<2x1000x1xf32, #tpu.memory_space<vmem>>, %arg5: memref<128x128xf32, #tpu.memory_space<vmem>>, %arg6: memref<1x128xf32, #tpu.memory_space<vmem>>, %arg7: memref<128x128xf32, #tpu.memory_space<vmem>>, %arg8: memref<1000x128xf32, #tpu.memory_space<vmem>>) attributes {dimension_semantics = [#tpu.dimension_semantics<arbitrary>], iteration_bounds = array<i64: 10>, scalar_prefetch = 0 : i64, scratch_operands = 0 : i64, tpu.core_type = #tpu.core_type<tc>, window_params = [{transform_indices = @transform_0, window_bounds = array<i64: 1>}, {transform_indices = @transform_1, window_bounds = array<i64: 1000, 128>}, {transform_indices = @transform_2, window_bounds = array<i64: 2, 1000, 128>}, {transform_indices = @transform_3, window_bounds = array<i64: 2, 1000, 1>}, {pipeline_mode = #tpu.pipeline_mode<synchronous>, transform_indices = @transform_4, window_bounds = array<i64: 128, 128>}, {pipeline_mode = #tpu.pipeline_mode<synchronous>, transform_indices = @transform_5, window_bounds = array<i64: 1, 128>}, {pipeline_mode = #tpu.pipeline_mode<synchronous>, transform_indices = @transform_6, window_bounds = array<i64: 128, 128>}, {transform_indices = @transform_7, window_bounds = array<i64: 1000, 128>}]} {
    %mul3A = arith.constant 1000 : i32
    %mul3A_0 = arith.muli %arg0, %mul3A : i32
    %iota3A = tpu.iota {dimensions = array<i32: 0>} : vector<1000x1xi32>
    %add3A = vector.broadcast %mul3A_0 : i32 to vector<1000x1xi32>
    %add3A_1 = arith.addi %add3A, %iota3A : vector<1000x1xi32>
    %get3A = arith.constant 0 : index
    %get3A_2 = memref.load %arg1[%get3A] : memref<1xi32, #tpu.memory_space<smem>>
    %lt3A = vector.broadcast %get3A_2 : i32 to vector<1000x1xi32>
    %lt3A_3 = arith.cmpi slt, %add3A_1, %lt3A : vector<1000x1xi32>
    %get3A_4 = arith.constant 0 : index
    %get3A_5 = arith.constant 0 : index
    %get3A_6 = vector.load %arg2[%get3A_4, %get3A_5] : memref<1000x128xf32, #tpu.memory_space<vmem>>, vector<1000x128xf32>
    %jit3A = arith.constant 0.000000e+00 : f32
    %broadcast_in_dim3A = vector.shape_cast %lt3A_3 : vector<1000x1xi1> to vector<1000x1xi1>
    %broadcast_in_dim3A_7 = vector.broadcast %broadcast_in_dim3A : vector<1000x1xi1> to vector<1000x128xi1>
    %broadcast_in_dim3A_8 = vector.broadcast %jit3A : f32 to vector<1000x128xf32>
    %select_n3A = arith.select %broadcast_in_dim3A_7, %get3A_6, %broadcast_in_dim3A_8 : vector<1000x128xi1>, vector<1000x128xf32>
    %get3A_9 = arith.constant 0 : index
    %get3A_10 = arith.constant 0 : index
    %get3A_11 = arith.constant 0 : index
    %get3A_12 = vector.load %arg3[%get3A_9, %get3A_10, %get3A_11] : memref<2x1000x128xf32, #tpu.memory_space<vmem>>, vector<1x1000x128xf32>
    %get3A_13 = vector.shape_cast %get3A_12 : vector<1x1000x128xf32> to vector<1000x128xf32>
    %get3A_14 = arith.constant 1 : index
    %get3A_15 = arith.constant 0 : index
    %get3A_16 = arith.constant 0 : index
    %get3A_17 = vector.load %arg3[%get3A_14, %get3A_15, %get3A_16] : memref<2x1000x128xf32, #tpu.memory_space<vmem>>, vector<1x1000x128xf32>
    %get3A_18 = vector.shape_cast %get3A_17 : vector<1x1000x128xf32> to vector<1000x128xf32>
    %add3A_19 = arith.addf %get3A_13, %get3A_18 : vector<1000x128xf32>
    %get3A_20 = arith.constant 0 : index
    %get3A_21 = arith.constant 0 : index
    %get3A_22 = arith.constant 0 : index
    %get3A_23 = vector.load %arg4[%get3A_20, %get3A_21, %get3A_22] : memref<2x1000x1xf32, #tpu.memory_space<vmem>>, vector<1x1000x1xf32>
    %get3A_24 = vector.shape_cast %get3A_23 : vector<1x1000x1xf32> to vector<1000x1xf32>
    %get3A_25 = arith.constant 1 : index
    %get3A_26 = arith.constant 0 : index
    %get3A_27 = arith.constant 0 : index
    %get3A_28 = vector.load %arg4[%get3A_25, %get3A_26, %get3A_27] : memref<2x1000x1xf32, #tpu.memory_space<vmem>>, vector<1x1000x1xf32>
    %get3A_29 = vector.shape_cast %get3A_28 : vector<1x1000x1xf32> to vector<1000x1xf32>
    %add3A_30 = arith.addf %get3A_24, %get3A_29 : vector<1000x1xf32>
    %max3A = arith.constant 1.000000e+00 : f32
    %max3A_31 = vector.broadcast %max3A : f32 to vector<1000x1xf32>
    %max3A_32 = arith.maximumf %add3A_30, %max3A_31 : vector<1000x1xf32>
    %div3A = vector.broadcast %max3A_32 : vector<1000x1xf32> to vector<1000x128xf32>
    %div3A_33 = arith.divf %add3A_19, %div3A : vector<1000x128xf32>
    %jit3A_34 = arith.constant 0.000000e+00 : f32
    %broadcast_in_dim3A_35 = vector.shape_cast %lt3A_3 : vector<1000x1xi1> to vector<1000x1xi1>
    %broadcast_in_dim3A_36 = vector.broadcast %broadcast_in_dim3A_35 : vector<1000x1xi1> to vector<1000x128xi1>
    %broadcast_in_dim3A_37 = vector.broadcast %jit3A_34 : f32 to vector<1000x128xf32>
    %select_n3A_38 = arith.select %broadcast_in_dim3A_36, %div3A_33, %broadcast_in_dim3A_37 : vector<1000x128xi1>, vector<1000x128xf32>
    %get3A_39 = arith.constant 0 : index
    %get3A_40 = arith.constant 0 : index
    %get3A_41 = vector.load %arg5[%get3A_39, %get3A_40] : memref<128x128xf32, #tpu.memory_space<vmem>>, vector<128x128xf32>
    %dot_general3A = arith.constant dense<0.000000e+00> : vector<1000x128xf32>
    %dot_general3A_42 = tpu.matmul %select_n3A, %get3A_41, %dot_general3A {dimension_numbers = #tpu.dot_dimension_numbers<[1], [0], [0], [1], [0, 0, 1, 1], [], []>, transpose_lhs_hint = false} : vector<1000x128xf32>, vector<128x128xf32>, vector<1000x128xf32> -> vector<1000x128xf32>
    %get3A_43 = arith.constant 0 : index
    %get3A_44 = arith.constant 0 : index
    %get3A_45 = vector.load %arg7[%get3A_43, %get3A_44] : memref<128x128xf32, #tpu.memory_space<vmem>>, vector<128x128xf32>
    %dot_general3A_46 = arith.constant dense<0.000000e+00> : vector<1000x128xf32>
    %dot_general3A_47 = tpu.matmul %select_n3A_38, %get3A_45, %dot_general3A_46 {dimension_numbers = #tpu.dot_dimension_numbers<[1], [0], [0], [1], [0, 0, 1, 1], [], []>, transpose_lhs_hint = false} : vector<1000x128xf32>, vector<128x128xf32>, vector<1000x128xf32> -> vector<1000x128xf32>
    %add3A_48 = arith.addf %dot_general3A_42, %dot_general3A_47 : vector<1000x128xf32>
    %get3A_49 = arith.constant 0 : index
    %get3A_50 = arith.constant 0 : index
    %get3A_51 = vector.load %arg6[%get3A_49, %get3A_50] : memref<1x128xf32, #tpu.memory_space<vmem>>, vector<1x128xf32>
    %add3A_52 = vector.broadcast %get3A_51 : vector<1x128xf32> to vector<1000x128xf32>
    %add3A_53 = arith.addf %add3A_48, %add3A_52 : vector<1000x128xf32>
    %max3A_54 = arith.constant 0.000000e+00 : f32
    %max3A_55 = vector.broadcast %max3A_54 : f32 to vector<1000x128xf32>
    %max3A_56 = arith.maximumf %add3A_53, %max3A_55 : vector<1000x128xf32>
    %swap3A = arith.constant 0 : index
    %swap3A_57 = arith.constant 0 : index
    %swap3A_58 = vector.load %arg8[%swap3A, %swap3A_57] : memref<1000x128xf32, #tpu.memory_space<vmem>>, vector<1000x128xf32>
    tpu.vector_store %arg8[%swap3A, %swap3A_57], %max3A_56 {strides = array<i32>} : memref<1000x128xf32, #tpu.memory_space<vmem>>, vector<1000x128xf32>,
    return
  }
  func.func @transform_0(%arg0: i32) -> i32 {
    %c0_i32 = arith.constant 0 : i32
    %c0_i32_0 = arith.constant 0 : i32
    return %c0_i32 : i32
  }
  func.func @transform_1(%arg0: i32) -> (i32, i32) {
    %c0_i32 = arith.constant 0 : i32
    %c0_i32_0 = arith.constant 0 : i32
    return %arg0, %c0_i32 : i32, i32
  }
  func.func @transform_2(%arg0: i32) -> (i32, i32, i32) {
    %c0_i32 = arith.constant 0 : i32
    %c0_i32_0 = arith.constant 0 : i32
    %c0_i32_1 = arith.constant 0 : i32
    return %c0_i32, %arg0, %c0_i32_0 : i32, i32, i32
  }
  func.func @transform_3(%arg0: i32) -> (i32, i32, i32) {
    %c0_i32 = arith.constant 0 : i32
    %c0_i32_0 = arith.constant 0 : i32
    %c0_i32_1 = arith.constant 0 : i32
    return %c0_i32, %arg0, %c0_i32_0 : i32, i32, i32
  }
  func.func @transform_4(%arg0: i32) -> (i32, i32) {
    %c0_i32 = arith.constant 0 : i32
    %c0_i32_0 = arith.constant 0 : i32
    %c0_i32_1 = arith.constant 0 : i32
    return %c0_i32, %c0_i32_0 : i32, i32
  }
  func.func @transform_5(%arg0: i32) -> (i32, i32) {
    %c0_i32 = arith.constant 0 : i32
    %c0_i32_0 = arith.constant 0 : i32
    %c0_i32_1 = arith.constant 0 : i32
    return %c0_i32, %c0_i32_0 : i32, i32
  }
  func.func @transform_6(%arg0: i32) -> (i32, i32) {
    %c0_i32 = arith.constant 0 : i32
    %c0_i32_0 = arith.constant 0 : i32
    %c0_i32_1 = arith.constant 0 : i32
    return %c0_i32, %c0_i32_0 : i32, i32
  }
  func.func @transform_7(%arg0: i32) -> (i32, i32) {
    %c0_i32 = arith.constant 0 : i32
    %c0_i32_0 = arith.constant 0 : i32
    return %arg0, %c0_i32 : i32, i32
  }
}

</mosaic_0001>

<sc_bundles>
// kernel: kernel.4.cloned.1.call-start
scs
__scs_entry_jumppad:
0x0: {  	(pc) =	sbr.rel $0x88, $3  }
0x1: {  	(tag) =	ssettag $0x0;
	lr =	simm.s32 $0x1  }
0x2: {  	[smem:$0x3F9B] =	sst lr;
	_ =	strace $0xD0000000  }
0x3: {  	_ = 	snop  }
0x4: {  	_ = 	snop  }
0x5: {  	_ = 	snop  }
0x6: {  	_ = 	snop  }
0x7: {  	_ = 	snop  }
__scs_overlays_trampoline_lowered:
0x8: {  	[smem:$0x3FAA] =	sst s0  }
0x9: {  	[smem:$0x3FAB] =	sst s1  }
0xa: {  	[smem:$0x3FAC] =	sst s2  }
0xb: {  	[smem:$0x3FAD] =	sst s3  }
0xc: {  	[smem:$0x3FAE] =	sst s4  }
0xd: {  	[smem:$0x3FAF] =	sst s5  }
0xe: {  	[smem:$0x3FB0] =	sst s6  }
0xf: {  	[smem:$0x3FB1] =	sst s7  }
0x10: {  	[smem:$0x3FB2] =	sst s8  }
0x11: {  	[smem:$0x3FB3] =	sst s9;
	s0 =	simm.s32 @!p0 $0x0  }
0x12: {  	s1 =	sld [smem:$0x3F99];
	s0 =	simm.s32 @p0 $0x1  }
0x13: {  	[smem:$0x3FB4] =	sst s0;
	s0 =	simm.s32 @!p1 $0x0  }
0x14: {  	s2 =	sld [smem:$0x3F98];
	s0 =	simm.s32 @p1 $0x1  }
0x15: {  	[smem:$0x3FB5] =	sst s0;
	s0 =	simm.s32 @!p2 $0x0  }
0x16: {  	s3 =	sld [smem:$0x3FDB];
	s0 =	simm.s32 @p2 $0x1  }
0x17: {  	s4 =	simm.s32 $0x1BF5;
	[smem:$0x3FB7] =	sst s0  }
0x18: {  	s0 =	sld [smem:$0x3F9A];
	_ =	swait.ge [sflag:s4], $0x0  }
0x19: {  	s7 =	sld [smem:$0x3F9B]  }
0x1a: {  	s8 =	sadd.s32 $0xFFFFE003, lr  }
0x1b: {  	s9 =	sadd.s32 $0xFFFFFEF7, lr;
	s5 =	simm.s32 $0xFFFFFFFF;
	p2 =	slt.u32 s8, $0xFFFFF086  }
0x1c: {  	p1 =	slt.u32 s9, $0xF7A;
	s5 =	simm.s32 @!p2 $0x0  }
0x1d: {  	s5 =	simm.s32 @p1 $0x1;
	p0 =	seq.s32 s7, s2  }
0x1e: {  	s7 =	smul.u32 @!p0 $0xF7A, s2;
	p2 =	seq.s32 @!p0 s5, $0x0  }
0x1f: {  	s9 =	smul.u32 $0xF7A, s1;
	s8 =	simm.s32 @!p0 $0x1BF5;
	p2 =	por !p2, p0  }
0x20: {  	[sflag:s8] =	ssyncset.s32 @!p0 $0xFFFFF086;
	s6 =	sadd.s32 @!p0 s3, s7;
	s7 =	simm.s32 @!p0 $0x108  }
0x21: {  	s3 =	sadd.s32 s3, s9;
	s6 =	sadd.s32 @!p0 $0x88, s6;
	s7 =	simm.s32 @p2 $0x1082  }
0x22: {  	[simem:s7], [sflag:s8] =	dma.local @!p0 [hbm:s6], $0xF7A  }
0x23: {  	s9 =	sor.u32 $0xD0000000, s2;
	s6 =	simm.s32 $0x108;
	_ =	swait.ge @!p0 [sflag:s8], $0x0  }
0x24: {  	s3 =	sadd.s32 $0x88, s3;
	s6 =	simm.s32 @!p1 $0x1082;
	[sflag:s4] =	ssyncset.s32 $0xFFFFF086  }
0x25: {  	[simem:s6], [sflag:s4] =	dma.local [hbm:s3], $0xF7A  }
0x26: {  	[smem:$0x3F9B] =	sst s1;
	(tag) =	ssettag s2;
	_ =	strace s9  }
0x27: {  	s1 =	sld [smem:$0x3FAB]  }
0x28: {  	s2 =	sld [smem:$0x3FAC]  }
0x29: {  	s4 =	sld [smem:$0x3FAE]  }
0x2a: {  	p0 =	seq.s32 s5, $0x0;
	s5 =	sld [smem:$0x3FAF]  }
0x2b: {  	s6 =	sld [smem:$0x3FB0]  }
0x2c: {  	s7 =	sld [smem:$0x3FB1]  }
0x2d: {  	s3 =	simm.s32 $0x108;
	s8 =	sld [smem:$0x3FB2]  }
0x2e: {  	s3 =	simm.s32 @!p0 $0x1082;
	s9 =	sld [smem:$0x3FB3]  }
0x2f: {  	lr =	sadd.s32 s0, s3;
	s0 =	sld [smem:$0x3FAA]  }
0x30: {  	s3 =	sld [smem:$0x3FAD]  }
0x31: {  	[smem:$0x3FB6] =	sst s10  }
0x32: {  	s10 =	sld [smem:$0x3FB4];
	_ =	sdelay $0x3  }
0x33: {  	p0 =	seq.s32 s10, $0x1;
	s10 =	sld [smem:$0x3FB6];
	_ =	sdelay $0x3  }
0x34: {  	[smem:$0x3FB6] =	sst s10  }
0x35: {  	s10 =	sld [smem:$0x3FB5];
	_ =	sdelay $0x3  }
0x36: {  	p1 =	seq.s32 s10, $0x1;
	s10 =	sld [smem:$0x3FB6];
	_ =	sdelay $0x3  }
0x37: {  	[smem:$0x3FB6] =	sst s10  }
0x38: {  	s10 =	sld [smem:$0x3FB7]  }
0x39: {  	_ = 	snop;
	(pc) =	sbr.ind lr, $3  }
0x3a: {  	_ = 	snop  }
0x3b: {  	_ = 	snop  }
0x3c: {  	p2 =	seq.s32 s10, $0x1;
	s10 =	sld [smem:$0x3FB6]  }
0x3d: {  	_ =	shalt  }
0x3e: {  	_ =	shalt  }
0x3f: {  	_ =	shalt  }
0x40: {  	_ =	shalt  }
0x41: {  	_ =	shalt  }
0x42: {  	_ =	shalt  }
0x43: {  	_ =	shalt  }
0x44: {  	_ =	shalt  }
0x45: {  	_ =	shalt  }
0x46: {  	_ =	shalt  }
0x47: {  	_ =	shalt  }
0x48: {  	_ =	shalt  }
0x49: {  	_ =	shalt  }
0x4a: {  	_ =	shalt  }
0x4b: {  	_ =	shalt  }
0x4c: {  	_ =	shalt  }
0x4d: {  	_ =	shalt  }
0x4e: {  	_ =	shalt  }
0x4f: {  	_ =	shalt  }
0x50: {  	_ =	shalt  }
0x51: {  	_ =	shalt  }
0x52: {  	_ =	shalt  }
0x53: {  	_ =	shalt  }
0x54: {  	_ =	shalt  }
0x55: {  	_ =	shalt  }
0x56: {  	_ =	shalt  }
0x57: {  	_ =	shalt  }
0x58: {  	_ =	shalt  }
0x59: {  	_ =	shalt  }
0x5a: {  	_ =	shalt  }
0x5b: {  	_ =	shalt  }
0x5c: {  	_ =	shalt  }
0x5d: {  	_ =	shalt  }
0x5e: {  	_ =	shalt  }
0x5f: {  	_ =	shalt  }
0x60: {  	_ =	shalt  }
0x61: {  	_ =	shalt  }
0x62: {  	_ =	shalt  }
0x63: {  	_ =	shalt  }
0x64: {  	_ =	shalt  }
0x65: {  	_ =	shalt  }
0x66: {  	_ =	shalt  }
0x67: {  	_ =	shalt  }
0x68: {  	_ =	shalt  }
0x69: {  	_ =	shalt  }
0x6a: {  	_ =	shalt  }
0x6b: {  	_ =	shalt  }
0x6c: {  	_ =	shalt  }
0x6d: {  	_ =	shalt  }
0x6e: {  	_ =	shalt  }
0x6f: {  	_ =	shalt  }
0x70: {  	_ =	shalt  }
0x71: {  	_ =	shalt  }
0x72: {  	_ =	shalt  }
0x73: {  	_ =	shalt  }
0x74: {  	_ =	shalt  }
0x75: {  	_ =	shalt  }
0x76: {  	_ =	shalt  }
0x77: {  	_ =	shalt  }
0x78: {  	_ =	shalt  }
0x79: {  	_ =	shalt  }
0x7a: {  	_ =	shalt  }
0x7b: {  	_ =	shalt  }
0x7c: {  	_ =	shalt  }
0x7d: {  	_ =	shalt  }
0x7e: {  	_ =	shalt  }
0x7f: {  	_ =	shalt  }
0x80: {  	_ =	shalt  }
0x81: {  	_ =	shalt  }
0x82: {  	_ =	shalt  }
0x83: {  	_ =	shalt  }
0x84: {  	_ =	shalt  }
0x85: {  	_ =	shalt  }
0x86: {  	_ =	shalt  }
0x87: {  	_ =	shalt  }
.Lfunc_end0:
.L_simem_size_0:
called_computation_lowered:
.L_overlay_start_0:
0x88: {  	s2 =	sld [smem:$0x3FD9]  }
0x89: {  	s3 =	sld [smem:$0x3FFE];
	_ =	sdelay $0x1  }
0x8a: {  	s1 =	srdreg.scid  }
0x8b: {  	s0 =	sand.u32 $0x1, s1  }
0x8c: {  	s17 =	sshll.u32 s0, $0xA;
	s2 =	sadd.s32 s3, s2  }
0x8d: {  	s2 =	sadd.s32 s2, s17  }
0x8e: {  	[smem:$0x3FC2] =	sst s2  }
0x8f: {  	_ = 	snop  }
0x90: {  	s2 =	sld [smem:$0x3FC9]  }
0x91: {  	s18 =	sld [smem:$0x3FD0];
	(tm) =	ssettm $0x1  }
0x92: {  	s4 =	sld [smem:$0x3FFB];
	_ =	sdelay $0x3  }
0x93: {  	_ =	strace s4  }
0x94: {  	s4 =	sld [smem:$0x3FFC];
	_ =	sdelay $0x3  }
0x95: {  	_ =	strace s4  }
0x96: {  	s4 =	sld [smem:$0x3FFD];
	_ =	sdelay $0x3  }
0x97: {  	_ =	strace s4  }
0x98: {  	_ =	strace $0x8FFFFFFF  }
0x99: {  	s19 =	sld [smem:$0x3FDB];
	_ =	sdelay $0x1  }
0x9a: {  	s5 =	simm.s32 $_scs_section_size  }
0x9b: {  	s6 =	simm.s32 $_size__tile_overlayer_lowered;
	s7 =	simm.s32 $_tile_overlayer_lowered  }
0x9c: {  	s22 =	simm.s32 $0x1BFF;
	s21 =	sshll.u32 s7, $0x1;
	s4 =	sadd.s32 s5, s19  }
0x9d: {  	s8 =	simm.s32 $0x0;
	s20 =	sshll.u32 s6, $0x1;
	s6 =	sadd.s32 s21, s4  }
0x9e: {  	[timem:s8], [sflag:s22] =	dma.local [hbm:s6], s20  }
0x9f: {  	_ =	swait.ge [sflag:s22], s20  }
0xa0: {  	s5 =	ssub.s32 $0x0, s20;
	[sflag:s22] =	ssyncset.done $0x0  }
0xa1: {  	[sflag:s22] =	ssyncadd.s32 s5;
	_ =	sdelay $0x1  }
0xa2: {  	s23 =	simm.s32 $0x1B8B  }
0xa3: {  	_ =	swait.ge [sflag:s23], $0x1  }
0xa4: {  	[sflag:s23] =	ssyncset.done $0x0  }
0xa5: {  	s25 =	simm.s32 $0x1B8E;
	s24 =	sld [smem:$0x3FFE];
	[sflag:s23] =	ssyncadd.s32 $0xFFFFFFFF  }
0xa6: {  	s26 =	simm.s32 $execute0_lowered;
	[smem:$0x3FD2] =	sst s25  }
0xa7: {  	s6 =	sshll.u32 s26, $0x1;
	_ =	strace $0x80000046;
	[dreg:$0x1] =	wrdreg $0xFFFFFFFF  }
0xa8: {  	s28 =	simm.s32 $_size_execute0_lowered;
	s4 =	sadd.s32 s4, s6;
	[dreg:$0x0] =	wrdreg $0x0  }
0xa9: {  	s6 =	sshll.u32 s28, $0x1;
	[dreg:$0x2] =	wrdreg s4  }
0xaa: {  	[dreg:$0x3] =	wrdreg s6  }
0xab: {  	[dreg:$0x4] =	wrdreg $0xC0  }
0xac: {  	_ =	task [dreg:s8], $0x5FFFF  }
0xad: {  	[dreg:$0x1] =	wrdreg $0xFFFFFFFF  }
0xae: {  	[dreg:$0x0] =	wrdreg $0x60  }
0xaf: {  	[dreg:$0x2] =	wrdreg s2  }
0xb0: {  	[dreg:$0x3] =	wrdreg s18  }
0xb1: {  	[dreg:$0x4] =	wrdreg s24  }
0xb2: {  	[dreg:$0x5] =	wrdreg $0x92000  }
0xb3: {  	[dreg:$0x6] =	wrdreg $0x1D2000  }
0xb4: {  	[dreg:$0x7] =	wrdreg $0x9  }
0xb5: {  	_ =	task.clear_ibuf [dreg:s8], $0x8FFFF;
	_ =	strace $0x90000046  }
0xb6: {  	s29 =	simm.s32 $0x9;
	_ =	strace $0x80000048  }
0xb7: {  	_ =	swait.ge [sflag:s29], $0x1  }
0xb8: {  	[sflag:s29] =	ssyncadd.s32 $0xFFFFFFFF  }
0xb9: {  	_ =	strace $0x90000048  }
0xba: {  	_ =	sfence  }
0xbb: {  	s30 =	sld [smem:$0x0];
	_ =	sdelay $0x2  }
0xbc: {  	s31 =	sshll.u32 s1, $0xD;
	s1 =	sshrl.u32 s1, $0x2  }
0xbd: {  	s3 =	sand.u32 $0x4000, s31;
	s1 =	sadd.s32 s1, s30  }
0xbe: {  	s0 =	sor.u32 s3, s0;
	s1 =	sshll.u32 s1, $0x11  }
0xbf: {  	s0 =	sor.u32 s1, s0  }
0xc0: {  	s0 =	sadd.s32 $0x8F2B, s0  }
0xc1: {  	[sflag:s0] =	ssyncadd.remote.s32 $0x1  }
0xc2: {  	_ =	sfence.sel $0xFFFF  }
0xc3: {  	[dreg:$0x0] =	wrdreg $0xFFFFFFFF;
	(pc) =	sbr.abs _section_cstart, $3  }
0xc4: {  	[dreg:$0x1] =	wrdreg $0xFFFFFFFF  }
0xc5: {  	_ =	task.clear_ibuf [dreg:s8], $0x2FFFF;
	_ =	strace $0x9FFFFFFF  }
0xc6: {  	(tm) =	ssettm $0x7FFFFFFF  }
0xc7: {  	_ =	shalt  }
tec
execute0_lowered:
.L_overlay_start_1:
0x0: {  	(tag) =	ssettag $0x1  }
0x1: {  	s1 =	rddreg [dreg:$0x0]  }
0x2: {  	s0 =	srdreg.scid;
	s2 =	rddreg [dreg:$0x1]  }
0x3: {  	s6 =	stileid.u32;
	s8 =	rddreg [dreg:$0x2];
	s5 =	simm.s32 $0x0  }
0x4: {  	s28 =	simm.s32 $0x80;
	s29 =	simm.s32 $0x1;
	s10 =	smul.u32 $0x14000, s6  }
0x5: {  	s30 =	simm.s32 $0x8F80;
	s31 =	simm.s32 $0x0;
	s15 =	smul.u32 $0x280, s6  }
0x6: {  	s0 =	sand.u32 $0x1, s0;
	s3 =	sshll.u32 s6, $0x1;
	s22 =	smul.u32 $0x50000, s6  }
0x7: {  	[smem:$0x7FF] =	sst s5;
	s13 =	sadd.s32 $0xB000, s8;
	s7 =	smul.u32 $0x140000, s0  }
0x8: {  	s4 =	sor.u32 s0, s3;
	s3 =	rddreg [dreg:$0x3];
	s11 =	smul.u32 $0x2800, s0  }
0x9: {  	s0 =	ssub.s32 $0x2, s0;
	s9 =	smul.u32 $0x4F0, s4;
	s4 =	rddreg [dreg:$0x4]  }
0xa: {  	_ =	strace $0x80000047;
	[dreg:$0x6] =	wrdreg s13;
	s19 =	sshrl.u32 s0, $0x1  }
0xb: {  	s23 =	sadd.s32 $0x80, s15;
	s17 =	sadd.s32 $0x100, s15;
	s10 =	sadd.s32 s10, s7  }
0xc: {  	s7 =	sadd.s32 $0xAE00, s8;
	s11 =	sadd.s32 s15, s11;
	s0 =	ssub.s32 s0, s19  }
0xd: {  	s24 =	sshll.u32 s23, $0x7;
	s25 =	sshll.u32 s17, $0x7;
	s19 =	sadd.s32 $0x200, s15  }
0xe: {  	s16 =	sadd.s32 s23, s4;
	s17 =	sadd.s32 s17, s4;
	s23 =	simm.s32 $0x2  }
0xf: {  	s12 =	sadd.s32 s9, s8;
	s10 =	sshrl.u32 s10, $0x3;
	s18 =	sshrl.u32 s11, $0x3  }
0x10: {  	s11 =	sadd.s32 s24, s3;
	s14 =	sshll.u32 s19, $0x7;
	s19 =	sadd.s32 s19, s4  }
0x11: {  	s20 =	sadd.s32 s10, s8;
	s21 =	sadd.s32 s18, s8;
	s8 =	sadd.s32 s2, s9  }
0x12: {  	s9 =	sadd.s32 $0x1000, s12;
	s10 =	sshrl.u32 s22, $0x2;
	s18 =	sadd.s32 $0x180, s15  }
0x13: {  	s12 =	sadd.s32 s25, s3;
	s14 =	sadd.s32 s14, s3;
	s15 =	sadd.s32 s15, s4  }
0x14: {  	s22 =	smax.u32 s0, $0x1;
	s25 =	simm.s32 $0x4F00;
	s10 =	sadd.s32 s10, s3  }
0x15: {  	s26 =	sshll.u32 s18, $0x7;
	s18 =	sadd.s32 s18, s4;
	s20 =	sadd.s32 $0xC200, s20  }
0x16: {  	s21 =	sadd.s32 $0xB800, s21;
	s13 =	sadd.s32 s26, s3;
	s26 =	simm.s32 $0x8F00  }
.LBB2_1:
0x17: {  	[tilespmem:s5], [sflag:$0x2] =	stream.linear.gather [hbm4b:s8+s5], $0x2780, $0x38;
	[tilespmem:$0x1D480] =	vst v63  }
0x18: {  	_ =	swait.ge [sflag:s23], $0x2780  }
0x19: {  	[sflag:s23] =	ssyncset.done $0x0  }
0x1a: {  	s0 =	simm.s32 $0x2780;
	[sflag:s23] =	ssyncadd.s32 $0xFFFFD880  }
0x1b: {  	[tilespmem:s0], [sflag:$0x2] =	stream.linear.gather [hbm4b:s9+s5], $0x2780, $0x38;
	[tilespmem:$0x1D480] =	vst v63  }
0x1c: {  	_ =	swait.ge [sflag:s23], $0x2780  }
0x1d: {  	[sflag:s23] =	ssyncset.done $0x0  }
0x1e: {  	s2 =	rddreg [dreg:$0x6];
	[sflag:s23] =	ssyncadd.s32 $0xFFFFD880  }
0x1f: {  	[tilespmem:s25], [sflag:$0x2] =	stream.linear.gather [hbm4b:s2+s5], $0x4000, $0x38;
	[tilespmem:$0x1D480] =	vst v63  }
0x20: {  	_ =	swait.ge [sflag:s23], $0x4000  }
0x21: {  	[sflag:s23] =	ssyncset.done $0x0  }
0x22: {  	[sflag:s23] =	ssyncadd.s32 $0xFFFFC000  }
0x23: {  	[spmem:s10] =	stream.linear.scatter [tilespmem:s25], [sflag:$0x2], $0x4000, $0x38;
	[tilespmem:$0x1D480] =	vst v63  }
0x24: {  	_ =	swait.ge [sflag:s23], $0x4000  }
0x25: {  	[sflag:s23] =	ssyncset.done $0x0  }
0x26: {  	[sflag:s23] =	ssyncadd.s32 $0xFFFFC000  }
0x27: {  	[spmem:s11] =	stream.linear.scatter [tilespmem:s25], [sflag:$0x2], $0x4000, $0x38;
	[tilespmem:$0x1D480] =	vst v63  }
0x28: {  	_ =	swait.ge [sflag:s23], $0x4000  }
0x29: {  	[sflag:s23] =	ssyncset.done $0x0  }
0x2a: {  	[sflag:s23] =	ssyncadd.s32 $0xFFFFC000  }
0x2b: {  	[spmem:s12] =	stream.linear.scatter [tilespmem:s25], [sflag:$0x2], $0x4000, $0x38;
	[tilespmem:$0x1D480] =	vst v63  }
0x2c: {  	_ =	swait.ge [sflag:s23], $0x4000  }
0x2d: {  	[sflag:s23] =	ssyncset.done $0x0  }
0x2e: {  	[sflag:s23] =	ssyncadd.s32 $0xFFFFC000  }
0x2f: {  	[spmem:s13] =	stream.linear.scatter [tilespmem:s25], [sflag:$0x2], $0x4000, $0x38;
	[tilespmem:$0x1D480] =	vst v63  }
0x30: {  	_ =	swait.ge [sflag:s23], $0x4000  }
0x31: {  	[sflag:s23] =	ssyncset.done $0x0  }
0x32: {  	[sflag:s23] =	ssyncadd.s32 $0xFFFFC000  }
0x33: {  	[spmem:s14] =	stream.linear.scatter [tilespmem:s25], [sflag:$0x2], $0x4000, $0x38;
	[tilespmem:$0x1D480] =	vst v63  }
0x34: {  	_ =	swait.ge [sflag:s23], $0x4000  }
0x35: {  	[sflag:s23] =	ssyncset.done $0x0  }
0x36: {  	[sflag:s23] =	ssyncadd.s32 $0xFFFFC000  }
0x37: {  	[spmem:s15] =	stream.linear.scatter [tilespmem:s25], [sflag:$0x2], $0x80, $0x38;
	[tilespmem:$0x1D480] =	vst v63  }
0x38: {  	_ =	swait.ge [sflag:s23], $0x80  }
0x39: {  	[sflag:s23] =	ssyncset.done $0x0  }
0x3a: {  	[sflag:s23] =	ssyncadd.s32 $0xFFFFFF80  }
0x3b: {  	[spmem:s16] =	stream.linear.scatter [tilespmem:s25], [sflag:$0x2], $0x80, $0x38;
	[tilespmem:$0x1D480] =	vst v63  }
0x3c: {  	_ =	swait.ge [sflag:s23], $0x80  }
0x3d: {  	[sflag:s23] =	ssyncset.done $0x0  }
0x3e: {  	[sflag:s23] =	ssyncadd.s32 $0xFFFFFF80  }
0x3f: {  	[spmem:s17] =	stream.linear.scatter [tilespmem:s25], [sflag:$0x2], $0x80, $0x38;
	[tilespmem:$0x1D480] =	vst v63  }
0x40: {  	_ =	swait.ge [sflag:s23], $0x80  }
0x41: {  	[sflag:s23] =	ssyncset.done $0x0  }
0x42: {  	[sflag:s23] =	ssyncadd.s32 $0xFFFFFF80  }
0x43: {  	[spmem:s18] =	stream.linear.scatter [tilespmem:s25], [sflag:$0x2], $0x80, $0x38;
	[tilespmem:$0x1D480] =	vst v63  }
0x44: {  	_ =	swait.ge [sflag:s23], $0x80  }
0x45: {  	[sflag:s23] =	ssyncset.done $0x0  }
0x46: {  	[sflag:s23] =	ssyncadd.s32 $0xFFFFFF80  }
0x47: {  	[spmem:s19] =	stream.linear.scatter [tilespmem:s25], [sflag:$0x2], $0x80, $0x38;
	[tilespmem:$0x1D480] =	vst v63  }
0x48: {  	_ =	swait.ge [sflag:s23], $0x80  }
0x49: {  	[sflag:s23] =	ssyncset.done $0x0  }
0x4a: {  	[sflag:s23] =	ssyncadd.s32 $0xFFFFFF80  }
0x4b: {  	[tilespmem:s26], [sflag:$0x2] =	stream.linear.gather [hbm4b:s7+s5], $0x80, $0x38;
	[tilespmem:$0x1D480] =	vst v63  }
0x4c: {  	_ =	swait.ge [sflag:s23], $0x80  }
0x4d: {  	[sflag:s23] =	ssyncset.done $0x0  }
0x4e: {  	[sflag:s23] =	ssyncadd.s32 $0xFFFFFF80  }
0x4f: {  	s6 =	simm.s32 $0x0;
	[bflag:$0x0] =	sbarrier.arrive $0xFFFF  }
0x50: {  	[tilespmem:s25], [sflag:$0x1] =	stream.indirect.gather [hbm4b:s1+s28], $0x80, s6, s28, $0xb8;
	[tilespmem:$0x1D480] =	vst v63  }
0x51: {  	_ =	swait.ge [sflag:s29], $0x4000  }
0x52: {  	[sflag:s29] =	ssyncset.done $0x0  }
0x53: {  	s24 =	simm.s32 $0x2780;
	[sflag:s29] =	ssyncadd.s32 $0xFFFFC000  }
0x54: {  	[spmem:s3] =	stream.indirect.scatter.add.f32 [tilespmem:s25], [sflag:$0x2], $0x80, s24, s28, $0xb8;
	[tilespmem:$0x1D480] =	vst v63  }
0x55: {  	_ =	swait.ge [sflag:s23], $0x4000  }
0x56: {  	[sflag:s23] =	ssyncset.done $0x0  }
0x57: {  	[sflag:s23] =	ssyncadd.s32 $0xFFFFC000  }
0x58: {  	[spmem:s4] =	stream.indirect.scatter.add.f32 [tilespmem:s26], [sflag:$0x2], $0x1, s24, s28, $0xb8;
	[tilespmem:$0x1D480] =	vst v63  }
0x59: {  	_ =	swait.ge [sflag:s23], $0x80  }
0x5a: {  	s0 =	simm.s32 $0x400;
	s2 =	simm.s32 $0x200;
	[sflag:s23] =	ssyncset.done $0x0  }
.LBB2_2:
0x5b: {  	s24 =	sshra.s32 s2, $0x2  }
0x5c: {  	[sflag:s23] =	ssyncadd.s32 $0xFFFFFF80;
	s2 =	smov.u32 s0;
	s6 =	sadd.s32 $0x200, s0  }
0x5d: {  	[tilespmem:s25], [sflag:$0x1] =	stream.indirect.gather [hbm4b:s1+s28], $0x80, s24, s28, $0xb8;
	[tilespmem:$0x1D480] =	vst v63  }
0x5e: {  	p0 =	sne.s32 s0, $0x9C00;
	_ =	swait.ge [sflag:s29], $0x4000  }
0x5f: {  	[sflag:s29] =	ssyncset.done $0x0  }
0x60: {  	s0 =	sadd.s32 $0x2780, s24;
	[sflag:s29] =	ssyncadd.s32 $0xFFFFC000  }
0x61: {  	[spmem:s3] =	stream.indirect.scatter.add.f32 [tilespmem:s25], [sflag:$0x2], $0x80, s0, s28, $0xb8;
	[tilespmem:$0x1D480] =	vst v63  }
0x62: {  	_ =	swait.ge [sflag:s23], $0x4000  }
.Ltmp0:
0x63: {  	[sflag:s23] =	ssyncset.done $0x0;
	(pc) =	sbr.rel @p0 .LBB2_2-.Ltmp0, $4  }
0x64: {  	[sflag:s23] =	ssyncadd.s32 $0xFFFFC000  }
0x65: {  	[spmem:s4] =	stream.indirect.scatter.add.f32 [tilespmem:s26], [sflag:$0x2], $0x1, s0, s28, $0xb8;
	[tilespmem:$0x1D480] =	vst v63  }
0x66: {  	_ =	swait.ge [sflag:s23], $0x80  }
0x67: {  	s0 =	smov.u32 s6;
	[sflag:s23] =	ssyncset.done $0x0  }
0x68: {  	s0 =	sshra.s32 s2, $0x2;
	[sflag:s23] =	ssyncadd.s32 $0xFFFFFF80  }
0x69: {  	[tilespmem:s25], [sflag:$0x1] =	stream.indirect.gather [hbm4b:s1+s28], $0x80, s0, s28, $0xb8;
	[tilespmem:$0x1D480] =	vst v63  }
0x6a: {  	_ =	swait.ge [sflag:s29], $0x4000  }
0x6b: {  	[sflag:s29] =	ssyncset.done $0x0  }
0x6c: {  	s0 =	sadd.s32 $0x2780, s0;
	[sflag:s29] =	ssyncadd.s32 $0xFFFFC000  }
0x6d: {  	[spmem:s3] =	stream.indirect.scatter.add.f32 [tilespmem:s25], [sflag:$0x2], $0x80, s0, s28, $0xb8;
	[tilespmem:$0x1D480] =	vst v63  }
0x6e: {  	_ =	swait.ge [sflag:s23], $0x4000  }
0x6f: {  	[sflag:s23] =	ssyncset.done $0x0  }
0x70: {  	[sflag:s23] =	ssyncadd.s32 $0xFFFFC000  }
0x71: {  	[spmem:s4] =	stream.indirect.scatter.add.f32 [tilespmem:s26], [sflag:$0x2], $0x1, s0, s28, $0xb8;
	[tilespmem:$0x1D480] =	vst v63  }
0x72: {  	_ =	swait.ge [sflag:s23], $0x80  }
0x73: {  	s6 =	stileid.u32;
	[sflag:s23] =	ssyncset.done $0x0  }
0x74: {  	s0 =	sshll.u32 s6, $0x6;
	[sflag:s23] =	ssyncadd.s32 $0xFFFFFF80  }
0x75: {  	s24 =	sshrl.u32 s10, $0x3;
	s0 =	sor.u32 $0x1C02, s0;
	[bflag:$0x0] =	sbarrier.arrive $0xFFFF  }
0x76: {  	[hbm:s20], [sflag:s0] =	dma.local [spmem:s24], $0x2800  }
0x77: {  	_ =	swait.ge [sflag:s23], $0x2800  }
0x78: {  	[sflag:s23] =	ssyncset.done $0x0  }
0x79: {  	[sflag:s23] =	ssyncadd.s32 $0xFFFFD800  }
0x7a: {  	[tilespmem:s30], [sflag:$0x2] =	stream.linear.gather [spmem:s15], $0x280, $0x38;
	[tilespmem:$0x1D480] =	vst v63  }
0x7b: {  	s31 =	sadd.s32 $0x1, s31;
	_ =	swait.ge [sflag:s23], $0x280  }
0x7c: {  	p0 =	sne.s32 s31, s22;
	[sflag:s23] =	ssyncset.done $0x0  }
.Ltmp1:
0x7d: {  	[sflag:s23] =	ssyncadd.s32 $0xFFFFFD80;
	(pc) =	sbr.rel @p0 .LBB2_1-.Ltmp1, $4  }
0x7e: {  	[hbm4b:s21+s5] =	stream.linear.scatter [tilespmem:s30], [sflag:$0x2], $0x280, $0x38;
	[tilespmem:$0x1D480] =	vst v63  }
0x7f: {  	_ =	swait.ge [sflag:s23], $0x280  }
0x80: {  	[sflag:s23] =	ssyncset.done $0x0  }
0x81: {  	[sflag:s23] =	ssyncadd.s32 $0xFFFFFD80  }
0x82: {  	_ =	sfence.sel $0x180000  }
0x83: {  	[bflag:$0x0] =	sbarrier.arrive $0xFFFF  }
0x84: {  	_ =	strace $0x90000047  }
0x85: {  	s0 =	stileid.u32;
	[bflag:$0x2] =	sbarrier.arrive $0xFFFF  }
0x86: {  	p0 =	sne.s32 s0, $0x0;
	s0 =	rddreg [dreg:$0x5]  }
0x87: {  	s0 =	sadd.s32 @!p0 $0x100000, s0  }
0x88: {  	[sflag:s0] =	ssyncadd.tile.s32 @!p0 $0x1;
	_ =	shalt  }
.Lfunc_end2:
_tile_overlayer_lowered:
.L_overlay_start_2:
0x89: {  	(tag) =	ssettag $0x2  }
0x8a: {  	s0 =	rddreg [dreg:$0x0];
	s2 =	stileid.u32  }
0x8b: {  	s1 =	rddreg [dreg:$0x1];
	p0 =	sne.s32 s2, $0x0  }
0x8c: {  	s3 =	rddreg [dreg:$0x2];
	[bflag:$0x3] =	sbarrier.arrive $0xFFFF;
	s2 =	simm.s32 @!p0 $0x1C02  }
0x8d: {  	[timem:s3], [sflag:s2] =	dma.local @!p0 [hbm:s0], s1  }
0x8e: {  	s0 =	simm.s32 @!p0 $0x2  }
0x8f: {  	_ =	swait.ge @!p0 [sflag:s0], s1  }
0x90: {  	s1 =	ssub.s32 @!p0 $0x0, s1;
	[sflag:s0] =	ssyncset.done @!p0 $0x0  }
0x91: {  	[sflag:s0] =	ssyncadd.s32 @!p0 s1  }
0x92: {  	[bflag:$0x3] =	sbarrier.arrive $0xFFFF  }
0x93: {  	_ =	shalt  }

</sc_bundles>
